<compile_context>
chip_gen: v7x
topology: tpu7x:2x2x1
jax: 0.10.2.dev20260603
libtpu: 0.0.44.dev20260713+nightly
codegen_flags: <defaults>
</compile_context>

<pallas_src>
import functools

import jax
import jax.numpy as jnp
from jax import lax
from jax.experimental import pallas as pl
from jax.experimental.pallas import tpu as pltpu
from jax.experimental.pallas import tpu_sc as plsc

N = 50000
E = 800000
NP = 50176
EP = 802816
BLK = 256
GRID = NP // BLK
NC = 2
NS = 16
EC = 128
PCH = 112
ROWS_PER_TILE = NP // (NC * NS)
DRAIN = NP // NS
DCH = 392
NBUF = 4


def _mesh():
    return plsc.VectorSubcoreMesh(core_axis_name="c", subcore_axis_name="s")


def _mlp_body(x_ref, m_ref, w1_ref, b1_ref, w2_ref, b2_ref, cw_ref, o_ref):
    x = x_ref[...]
    h = jnp.maximum(jnp.dot(x, w1_ref[...], preferred_element_type=jnp.float32)
                    + b1_ref[...], 0.0)
    g = jnp.maximum(jnp.dot(h, w2_ref[...], preferred_element_type=jnp.float32)
                    + b2_ref[...], 0.0)
    xa = jnp.dot(g, cw_ref[...], preferred_element_type=jnp.float32)
    xg = jnp.dot(x, cw_ref[...], preferred_element_type=jnp.float32)
    m = m_ref[...]
    o_ref[...] = m * xg + (1.0 - m) * xa


def _mlp_select(x, mask_f, w1, b1, w2p, b2p, cw1p):
    return pl.pallas_call(
        _mlp_body,
        grid=(GRID,),
        in_specs=[
            pl.BlockSpec((BLK, 256), lambda g: (g, 0)),
            pl.BlockSpec((BLK, 1), lambda g: (g, 0)),
            pl.BlockSpec((256, 1024), lambda g: (0, 0)),
            pl.BlockSpec((1, 1024), lambda g: (0, 0)),
            pl.BlockSpec((1024, 256), lambda g: (0, 0)),
            pl.BlockSpec((1, 256), lambda g: (0, 0)),
            pl.BlockSpec((256, 64), lambda g: (0, 0)),
        ],
        out_specs=pl.BlockSpec((BLK, 64), lambda g: (g, 0)),
        out_shape=jax.ShapeDtypeStruct((NP, 64), jnp.float32),
    )(x, mask_f, w1, b1, w2p, b2p, cw1p)


def _hist_body(colh, zflat, ones_hbm,
               hist2, cidx, ones_v, zv, hist_sp, sem):
    c = lax.axis_index("c")
    s = lax.axis_index("s")

    pltpu.sync_copy(zflat, zv)
    pltpu.sync_copy(zv, hist_sp.at[pl.ds(s * DRAIN, DRAIN)])
    pltpu.sync_copy(ones_hbm, ones_v)
    plsc.subcore_barrier()

    half = EP // NC
    @pl.loop(0, half // (NS * EC))
    def _(j):
        base = c * half + s * (half // NS) + j * EC
        pltpu.sync_copy(colh.at[pl.ds(base, EC)], cidx)
        pltpu.sync_copy(ones_v, hist_sp.at[cidx], add=True)

    plsc.subcore_barrier()
    pltpu.sync_copy(hist_sp.at[pl.ds(s * DRAIN, DRAIN)], zv)
    pltpu.sync_copy(zv, hist2.at[pl.ds(c * NP + s * DRAIN, DRAIN)])


def _hist(colh, zflat, ones_hbm):
    k = pl.kernel(
        _hist_body,
        out_type=jax.ShapeDtypeStruct((2 * NP,), jnp.float32),
        mesh=_mesh(),
        compiler_params=pltpu.CompilerParams(use_tc_tiling_on_sc=False),
        scratch_types=[
            pltpu.VMEM((EC,), jnp.int32),
            pltpu.VMEM((EC,), jnp.float32),
            pltpu.VMEM((DRAIN,), jnp.float32),
            pltpu.VMEM_SHARED((NP,), jnp.float32),
            pltpu.SemaphoreType.DMA,
        ],
    )
    return k(colh, zflat, ones_hbm)


def _perm_body(xsel, dstp, xperm, buf, didx, sem):
    c = lax.axis_index("c")
    s = lax.axis_index("s")
    w = s * NC + c

    @pl.loop(0, ROWS_PER_TILE // PCH)
    def _(j):
        base = w * ROWS_PER_TILE + j * PCH
        pltpu.sync_copy(xsel.at[pl.ds(base, PCH)], buf)
        pltpu.sync_copy(dstp.at[pl.ds(base, PCH)], didx)
        pltpu.sync_copy(buf, xperm.at[didx])


def _perm(xsel, dstp):
    k = pl.kernel(
        _perm_body,
        out_type=jax.ShapeDtypeStruct((NP, 64), jnp.float32),
        mesh=_mesh(),
        compiler_params=pltpu.CompilerParams(use_tc_tiling_on_sc=False),
        scratch_types=[
            pltpu.VMEM((PCH, 64), jnp.float32),
            pltpu.VMEM((PCH,), jnp.int32),
            pltpu.SemaphoreType.DMA,
        ],
    )
    return k(xsel, dstp)


def _scale_body(h2_ref, xw_ref, b_ref, ywst_ref, sl_ref, dinv_ref):
    cnt = h2_ref[...]
    deg = cnt[0] + cnt[1] + 1.0
    dinv = lax.rsqrt(deg)[:, None]
    xw = xw_ref[...]
    yw = xw * dinv
    ywst_ref[0] = yw[:, :32]
    ywst_ref[1] = yw[:, 32:]
    sl_ref[...] = xw * (dinv * dinv) + b_ref[...]
    dinv_ref[...] = dinv


def _scale(hist2, xw1, bconv):
    return pl.pallas_call(
        _scale_body,
        grid=(GRID,),
        in_specs=[
            pl.BlockSpec((2, BLK), lambda g: (0, g)),
            pl.BlockSpec((BLK, 64), lambda g: (g, 0)),
            pl.BlockSpec((1, 64), lambda g: (0, 0)),
        ],
        out_specs=[
            pl.BlockSpec((2, BLK, 32), lambda g: (0, g, 0)),
            pl.BlockSpec((BLK, 64), lambda g: (g, 0)),
            pl.BlockSpec((BLK, 1), lambda g: (g, 0)),
        ],
        out_shape=[
            jax.ShapeDtypeStruct((2, NP, 32), jnp.float32),
            jax.ShapeDtypeStruct((NP, 64), jnp.float32),
            jax.ShapeDtypeStruct((NP, 1), jnp.float32),
        ],
    )(hist2, xw1, bconv)


def _layer_mid_body(a_ref, sl_ref, dinv_ref, w_ref, b_ref, ywst_ref, sl2_ref):
    acc = jnp.concatenate([a_ref[0], a_ref[1]], axis=1)
    dinv = dinv_ref[...]
    h1 = jnp.maximum(dinv * acc + sl_ref[...], 0.0)
    xw2 = jnp.dot(h1, w_ref[...], preferred_element_type=jnp.float32)
    yw2 = xw2 * dinv
    ywst_ref[0] = yw2[:, :32]
    ywst_ref[1] = yw2[:, 32:]
    sl2_ref[...] = xw2 * (dinv * dinv) + b_ref[...]


def _layer_mid(accst, sl1, dinv, w, b):
    return pl.pallas_call(
        _layer_mid_body,
        grid=(GRID,),
        in_specs=[
            pl.BlockSpec((2, BLK, 32), lambda g: (0, g, 0)),
            pl.BlockSpec((BLK, 64), lambda g: (g, 0)),
            pl.BlockSpec((BLK, 1), lambda g: (g, 0)),
            pl.BlockSpec((64, 64), lambda g: (0, 0)),
            pl.BlockSpec((1, 64), lambda g: (0, 0)),
        ],
        out_specs=[
            pl.BlockSpec((2, BLK, 32), lambda g: (0, g, 0)),
            pl.BlockSpec((BLK, 64), lambda g: (g, 0)),
        ],
        out_shape=[
            jax.ShapeDtypeStruct((2, NP, 32), jnp.float32),
            jax.ShapeDtypeStruct((NP, 64), jnp.float32),
        ],
    )(accst, sl1, dinv, w, b)


def _head_body(a_ref, sl_ref, dinv_ref, w_ref, b_ref, o_ref):
    acc = jnp.concatenate([a_ref[0], a_ref[1]], axis=1)
    h2 = jnp.maximum(dinv_ref[...] * acc + sl_ref[...], 0.0)
    o_ref[...] = jnp.dot(h2, w_ref[...], preferred_element_type=jnp.float32) \
        + b_ref[...]


def _head(accst, sl2, dinv, w, b):
    return pl.pallas_call(
        _head_body,
        grid=(GRID,),
        in_specs=[
            pl.BlockSpec((2, BLK, 32), lambda g: (0, g, 0)),
            pl.BlockSpec((BLK, 64), lambda g: (g, 0)),
            pl.BlockSpec((BLK, 1), lambda g: (g, 0)),
            pl.BlockSpec((64, 64), lambda g: (0, 0)),
            pl.BlockSpec((1, 64), lambda g: (0, 0)),
        ],
        out_specs=pl.BlockSpec((BLK, 64), lambda g: (g, 0)),
        out_shape=jax.ShapeDtypeStruct((NP, 64), jnp.float32),
    )(accst, sl2, dinv, w, b)


def _msg_body(ywflat, ridx2, cidx2, zrows, accst,
              ridx_m, cidx_m, b0, b1, b2, b3,
              db, acc_sp,
              g0, g1, g2, g3, s0, s1, s2, s3):
    c = lax.axis_index("c")
    s = lax.axis_index("s")
    B = [b0, b1, b2, b3]
    GS = [g0, g1, g2, g3]
    SS = [s0, s1, s2, s3]
    per_tile = EP // NS
    rows_pt = per_tile // EC

    pltpu.sync_copy(zrows, db)
    @pl.loop(0, DRAIN // DCH)
    def _(z):
        pltpu.sync_copy(db, acc_sp.at[pl.ds(s * DRAIN + z * DCH, DCH)])
    plsc.subcore_barrier()

    def group(t, first):
        rrow = t * NBUF
        pltpu.sync_copy(
            ridx2.at[pl.ds(c * (EP // EC) + s * rows_pt + rrow, NBUF)],
            ridx_m)
        gd = []
        for b in range(NBUF):
            if not first:
                pltpu.make_async_copy(B[b], acc_sp.at[cidx_m.at[b]],
                                      SS[b]).wait()
            gd.append(pltpu.async_copy(ywflat.at[ridx_m.at[b]], B[b], GS[b]))
        pltpu.sync_copy(cidx2.at[pl.ds(s * rows_pt + rrow, NBUF)], cidx_m)
        for b in range(NBUF):
            gd[b].wait()
            pltpu.async_copy(B[b], acc_sp.at[cidx_m.at[b]], SS[b], add=True)

    group(0, True)
    @pl.loop(1, (per_tile // EC) // NBUF)
    def _(t):
        group(t, False)
    for b in range(NBUF):
        pltpu.make_async_copy(B[b], acc_sp.at[cidx_m.at[b]], SS[b]).wait()

    plsc.subcore_barrier()
    @pl.loop(0, DRAIN // DCH)
    def _(z):
        off = s * DRAIN + z * DCH
        pltpu.sync_copy(acc_sp.at[pl.ds(off, DCH)], db)
        pltpu.sync_copy(db, accst.at[pl.ds(c * NP + off, DCH)])


def _msg_pass(ywflat, ridx2, cidx2, zrows):
    k = pl.kernel(
        _msg_body,
        out_type=jax.ShapeDtypeStruct((2 * NP, 32), jnp.float32),
        mesh=_mesh(),
        compiler_params=pltpu.CompilerParams(use_tc_tiling_on_sc=False),
        scratch_types=(
            [pltpu.VMEM((NBUF, EC), jnp.int32) for _ in range(2)]
            + [pltpu.VMEM((EC, 32), jnp.float32) for _ in range(NBUF)]
            + [pltpu.VMEM((DCH, 32), jnp.float32),
               pltpu.VMEM_SHARED((NP, 32), jnp.float32)]
            + [pltpu.SemaphoreType.DMA for _ in range(2 * NBUF)]
        ),
    )
    return k(ywflat, ridx2, cidx2, zrows)


def kernel(x, edge_index, mask, goid_W1, goid_b1, goid_W2, goid_b2,
           conv1_W, conv1_b, conv2_W, conv2_b, fc_W, fc_b):
    f32 = jnp.float32

    row = edge_index[0]
    col = edge_index[1]
    pad_e = jnp.full((EP - E,), N, dtype=jnp.int32)
    rowp = jnp.concatenate([row, pad_e])
    colp = jnp.concatenate([col, pad_e])
    ridx2 = jnp.concatenate([rowp, rowp + NP])

    mask_i = mask.astype(jnp.int32)
    ct = jnp.cumsum(mask_i)
    cf = jnp.cumsum(1 - mask_i)
    n_true = ct[-1]
    dst = jnp.where(mask, ct - 1, n_true + cf - 1).astype(jnp.int32)
    dstp = jnp.concatenate([dst, N + jnp.arange(NP - N, dtype=jnp.int32)])

    mask_f = jnp.zeros((NP, 1), f32).at[:N, 0].set(mask.astype(f32))
    w2p = jnp.zeros((1024, 256), f32).at[:, :198].set(goid_W2)
    b2p = jnp.zeros((1, 256), f32).at[0, :198].set(goid_b2)
    cw1p = jnp.zeros((256, 64), f32).at[:198, :].set(conv1_W)
    b1 = goid_b1[None, :]
    c1b = conv1_b[None, :]
    c2b = conv2_b[None, :]
    fcb = fc_b[None, :]

    zflat = jnp.zeros((DRAIN,), f32)
    zrows = jnp.zeros((DCH, 32), f32)
    ones_hbm = jnp.ones((EC,), f32)

    ridx2v = ridx2.reshape(2 * EP // EC, EC)
    cidx2v = colp.reshape(EP // EC, EC)

    hist2 = _hist(colp, zflat, ones_hbm)

    xsel = _mlp_select(x, mask_f, goid_W1, b1, w2p, b2p, cw1p)

    xw1 = _perm(xsel, dstp)

    ywst, sl1, dinv = _scale(hist2.reshape(2, NP), xw1, c1b)

    return (sl1 + dinv)[:N]
    acc1 = _msg_pass(ywst.reshape(2 * NP, 32), ridx2v, cidx2v, zrows)

    ywst2, sl2 = _layer_mid(acc1.reshape(2, NP, 32), sl1, dinv, conv2_W, c2b)

    acc2 = _msg_pass(ywst2.reshape(2 * NP, 32), ridx2v, cidx2v, zrows)

    out = _head(acc2.reshape(2, NP, 32), sl2, dinv, fc_W, fcb)
    return out[:N]

# --- scband reference (transcript-rebuilt; emitter-appended) ---
"""Pipeline reference for scband-gcnwith-aggregator-79654463472119 (READ-ONLY COPY).

The authoritative reference and input builder live on the scoring server;
editing this copy changes nothing except your own understanding.
"""

import jax, jax.numpy as jnp
import numpy as np


def gcn_conv(x, edge_index, W, b):
    # Faithful PyG GCNConv: linear transform, add self-loops, symmetric norm, sum-aggregate.
    N = x.shape[0]
    row = edge_index[0]
    col = edge_index[1]
    sl = jnp.arange(N, dtype=edge_index.dtype)
    row = jnp.concatenate([row, sl])
    col = jnp.concatenate([col, sl])
    deg = jax.ops.segment_sum(jnp.ones(row.shape[0], dtype=x.dtype), col, num_segments=N)
    dinv = jnp.where(deg > 0, 1.0 / jnp.sqrt(deg), 0.0)
    norm = dinv[row] * dinv[col]
    xw = x @ W
    msgs = xw[row] * norm[:, None]
    out = jax.ops.segment_sum(msgs, col, num_segments=N)
    return out + b


def setup_inputs(seed: int = 0):
    key = jax.random.key(seed)
    ks = jax.random.split(key, 16)
    N = 50000
    E = 800000
    goid_in = 256
    goid_hidden = 1024
    goid_out = 198
    h1 = 64
    h2 = 64
    out_dim = 64
    x = jax.random.normal(ks[0], (N, goid_in), dtype=jnp.float32)
    edge_index = jax.random.randint(ks[1], (2, E), 0, N, dtype=jnp.int32)
    mask = jax.random.randint(ks[2], (N,), 0, 2, dtype=jnp.int32) > 0
    s = 0.05
    goid_W1 = jax.random.normal(ks[3], (goid_in, goid_hidden), dtype=jnp.float32) * s
    goid_b1 = jnp.zeros((goid_hidden,), dtype=jnp.float32)
    goid_W2 = jax.random.normal(ks[4], (goid_hidden, goid_out), dtype=jnp.float32) * s
    goid_b2 = jnp.zeros((goid_out,), dtype=jnp.float32)
    conv1_W = jax.random.normal(ks[5], (goid_out, h1), dtype=jnp.float32) * s
    conv1_b = jnp.zeros((h1,), dtype=jnp.float32)
    conv2_W = jax.random.normal(ks[6], (h1, h2), dtype=jnp.float32) * s
    conv2_b = jnp.zeros((h2,), dtype=jnp.float32)
    fc_W = jax.random.normal(ks[7], (h2, out_dim), dtype=jnp.float32) * s
    fc_b = jnp.zeros((out_dim,), dtype=jnp.float32)
    return {
        "x": x, "edge_index": edge_index, "mask": mask,
        "goid_W1": goid_W1, "goid_b1": goid_b1, "goid_W2": goid_W2, "goid_b2": goid_b2,
        "conv1_W": conv1_W, "conv1_b": conv1_b, "conv2_W": conv2_W, "conv2_b": conv2_b,
        "fc_W": fc_W, "fc_b": fc_b,
    }


def reference(x, edge_index, mask, goid_W1, goid_b1, goid_W2, goid_b2,
              conv1_W, conv1_b, conv2_W, conv2_b, fc_W, fc_b):
    gene_all = x[:, :198]
    h = jax.nn.relu(x @ goid_W1 + goid_b1)
    goid_all = jax.nn.relu(h @ goid_W2 + goid_b2)
    selected = jnp.where(mask[:, None], gene_all, goid_all)
    order = jnp.argsort(~mask, stable=True)
    x_transformed = selected[order]
    h1 = jax.nn.relu(gcn_conv(x_transformed, edge_index, conv1_W, conv1_b))
    h2 = jax.nn.relu(gcn_conv(h1, edge_index, conv2_W, conv2_b))
    return h2 @ fc_W + fc_b

if __name__ == "__main__":
    import jax
    _d = setup_inputs()
    print(jax.jit(kernel)(*tuple(_d.values())))

</pallas_src>

<mosaic_0001>
#map = affine_map<(d0, d1) -> (0, 0)>
#map1 = affine_map<(d0, d1) -> (0)>
module attributes {stable_mosaic.version = 14 : i64} {
  func.func @_perm_body(%arg0: i32, %arg1: i32, %arg2: memref<50176x64xf32, #tpu.memory_space<hbm>>, %arg3: memref<50176xi32, #tpu.memory_space<hbm>>, %arg4: memref<50176x64xf32, #tpu.memory_space<hbm>>, %arg5: memref<112x64xf32, #tpu.memory_space<vmem>>, %arg6: memref<112xi32, #tpu.memory_space<vmem>>, %arg7: memref<!tpu.dma_semaphore, #tpu.memory_space<semaphore_mem>>) attributes {dimension_semantics = [#tpu.dimension_semantics<core_parallel>, #tpu.dimension_semantics<subcore_parallel>], iteration_bounds = array<i64: 2, 16>, scalar_prefetch = 0 : i64, scratch_operands = 3 : i64, tpu.core_type = #tpu.core_type<sc_vector_subcore>, window_params = [{transform_indices = #map}, {transform_indices = #map1}, {transform_indices = #map}]} {
    %mul3A = arith.constant 2 : i32
    %mul3A_0 = arith.muli %arg1, %mul3A : i32
    %add3A = arith.addi %mul3A_0, %arg0 : i32
    %scan3A = arith.constant 0 : i32
    %scan3A_1 = arith.constant 14 : i32
    %scan3A_2 = arith.addi %scan3A, %scan3A_1 : i32
    %scan3A_3 = arith.constant 1 : i32
    scf.for %scan3A_5 = %scan3A to %scan3A_2 step %scan3A_3  : i32 {
      %mul3A_6 = arith.constant 1 : i32
      %mul3A_7 = arith.muli %scan3A_5, %mul3A_6 : i32
      %add3A_8 = arith.constant 0 : i32
      %add3A_9 = arith.addi %add3A_8, %mul3A_7 : i32
      %mul3A_10 = arith.constant 1568 : i32
      %mul3A_11 = arith.muli %add3A, %mul3A_10 : i32
      %mul3A_12 = arith.constant 112 : i32
      %mul3A_13 = arith.muli %add3A_9, %mul3A_12 : i32
      %add3A_14 = arith.addi %mul3A_11, %mul3A_13 : i32
      "tpu.region"() ({
        %run_scoped3A = tpu.sem_alloc : memref<!tpu.dma_semaphore, #tpu.memory_space<semaphore_mem>>
        %dma_start3A = arith.constant 0 : i32
        %dma_start3A_15 = tpu.memref_slice %arg2[%add3A_14, %dma_start3A] : memref<50176x64xf32, #tpu.memory_space<hbm>> -> memref<112x64xf32, #tpu.memory_space<hbm>>
        %dma_start3A_16 = arith.constant 0 : i32
        %dma_start3A_17 = tpu.memref_slice %arg2[%add3A_14, %dma_start3A_16] : memref<50176x64xf32, #tpu.memory_space<hbm>> -> memref<112x64xf32, #tpu.memory_space<hbm>>
        tpu.enqueue_dma source(%dma_start3A_17 : memref<112x64xf32, #tpu.memory_space<hbm>>) target(%arg5 : memref<112x64xf32, #tpu.memory_space<vmem>>) target_semaphore(%run_scoped3A : memref<!tpu.dma_semaphore, #tpu.memory_space<semaphore_mem>>)
        %dma_wait3A = arith.constant 0 : i32
        %dma_wait3A_18 = tpu.memref_slice %arg2[%add3A_14, %dma_wait3A] : memref<50176x64xf32, #tpu.memory_space<hbm>> -> memref<112x64xf32, #tpu.memory_space<hbm>>
        %dma_wait3A_19 = arith.constant 0 : i32
        %dma_wait3A_20 = tpu.memref_slice %arg2[%add3A_14, %dma_wait3A_19] : memref<50176x64xf32, #tpu.memory_space<hbm>> -> memref<112x64xf32, #tpu.memory_space<hbm>>
        tpu.wait_dma2 semaphore(%run_scoped3A : memref<!tpu.dma_semaphore, #tpu.memory_space<semaphore_mem>>) src(%dma_wait3A_20 : memref<112x64xf32, #tpu.memory_space<hbm>>) dst(%arg5 : memref<112x64xf32, #tpu.memory_space<vmem>>)
        tpu.yield
      }) : () -> ()
      "tpu.region"() ({
        %run_scoped3A = tpu.sem_alloc : memref<!tpu.dma_semaphore, #tpu.memory_space<semaphore_mem>>
        %dma_start3A = tpu.memref_slice %arg3[%add3A_14] : memref<50176xi32, #tpu.memory_space<hbm>> -> memref<112xi32, #tpu.memory_space<hbm>>
        %dma_start3A_15 = tpu.memref_slice %arg3[%add3A_14] : memref<50176xi32, #tpu.memory_space<hbm>> -> memref<112xi32, #tpu.memory_space<hbm>>
        tpu.enqueue_dma source(%dma_start3A_15 : memref<112xi32, #tpu.memory_space<hbm>>) target(%arg6 : memref<112xi32, #tpu.memory_space<vmem>>) target_semaphore(%run_scoped3A : memref<!tpu.dma_semaphore, #tpu.memory_space<semaphore_mem>>)
        %dma_wait3A = tpu.memref_slice %arg3[%add3A_14] : memref<50176xi32, #tpu.memory_space<hbm>> -> memref<112xi32, #tpu.memory_space<hbm>>
        %dma_wait3A_16 = tpu.memref_slice %arg3[%add3A_14] : memref<50176xi32, #tpu.memory_space<hbm>> -> memref<112xi32, #tpu.memory_space<hbm>>
        tpu.wait_dma2 semaphore(%run_scoped3A : memref<!tpu.dma_semaphore, #tpu.memory_space<semaphore_mem>>) src(%dma_wait3A_16 : memref<112xi32, #tpu.memory_space<hbm>>) dst(%arg6 : memref<112xi32, #tpu.memory_space<vmem>>)
        tpu.yield
      }) : () -> ()
      "tpu.region"() ({
        %run_scoped3A = tpu.sem_alloc : memref<!tpu.dma_semaphore, #tpu.memory_space<semaphore_mem>>
        %dma_start3A = arith.constant 0 : i32
        %dma_start3A_15 = arith.constant 0 : i32
        %dma_start3A_16 = tpu.memref_slice %arg4[%dma_start3A, %dma_start3A_15] : memref<50176x64xf32, #tpu.memory_space<hbm>> -> memref<50176x64xf32, #tpu.memory_space<hbm>>
        tpu.enqueue_indirect_dma source(%arg5 : memref<112x64xf32, #tpu.memory_space<vmem>>) target(%dma_start3A_16 : memref<50176x64xf32, #tpu.memory_space<hbm>>) offsets(%arg6 : memref<112xi32, #tpu.memory_space<vmem>>) semaphore(%run_scoped3A : memref<!tpu.dma_semaphore, #tpu.memory_space<semaphore_mem>>)
        %dma_wait3A = arith.constant 0 : i32
        %dma_wait3A_17 = arith.constant 0 : i32
        %dma_wait3A_18 = tpu.memref_slice %arg4[%dma_wait3A, %dma_wait3A_17] : memref<50176x64xf32, #tpu.memory_space<hbm>> -> memref<50176x64xf32, #tpu.memory_space<hbm>>
        tpu.wait_indirect_dma semaphore(%run_scoped3A : memref<!tpu.dma_semaphore, #tpu.memory_space<semaphore_mem>>) src(%arg5 : memref<112x64xf32, #tpu.memory_space<vmem>>) dst(%dma_wait3A_18 : memref<50176x64xf32, #tpu.memory_space<hbm>>)
        tpu.yield
      }) : () -> ()
    }
    %scan3A_4 = arith.constant 14 : i32
    return
  }
}

#map = affine_map<(d0, d1) -> (0)>
module attributes {stable_mosaic.version = 14 : i64} {
  func.func @_hist_body(%arg0: i32, %arg1: i32, %arg2: memref<802816xi32, #tpu.memory_space<hbm>>, %arg3: memref<3136xf32, #tpu.memory_space<hbm>>, %arg4: memref<128xf32, #tpu.memory_space<hbm>>, %arg5: memref<100352xf32, #tpu.memory_space<hbm>>, %arg6: memref<128xi32, #tpu.memory_space<vmem>>, %arg7: memref<128xf32, #tpu.memory_space<vmem>>, %arg8: memref<3136xf32, #tpu.memory_space<vmem>>, %arg9: memref<50176xf32, #tpu.memory_space<vmem_shared>>, %arg10: memref<!tpu.dma_semaphore, #tpu.memory_space<semaphore_mem>>) attributes {dimension_semantics = [#tpu.dimension_semantics<core_parallel>, #tpu.dimension_semantics<subcore_parallel>], iteration_bounds = array<i64: 2, 16>, scalar_prefetch = 0 : i64, scratch_operands = 5 : i64, tpu.core_type = #tpu.core_type<sc_vector_subcore>, window_params = [{transform_indices = #map}, {transform_indices = #map}, {transform_indices = #map}, {transform_indices = #map}]} {
    "tpu.region"() ({
      %run_scoped3A = tpu.sem_alloc : memref<!tpu.dma_semaphore, #tpu.memory_space<semaphore_mem>>
      tpu.enqueue_dma source(%arg3 : memref<3136xf32, #tpu.memory_space<hbm>>) target(%arg8 : memref<3136xf32, #tpu.memory_space<vmem>>) target_semaphore(%run_scoped3A : memref<!tpu.dma_semaphore, #tpu.memory_space<semaphore_mem>>)
      tpu.wait_dma2 semaphore(%run_scoped3A : memref<!tpu.dma_semaphore, #tpu.memory_space<semaphore_mem>>) src(%arg3 : memref<3136xf32, #tpu.memory_space<hbm>>) dst(%arg8 : memref<3136xf32, #tpu.memory_space<vmem>>)
      tpu.yield
    }) : () -> ()
    %mul3A = arith.constant 3136 : i32
    %mul3A_0 = arith.muli %arg1, %mul3A : i32
    "tpu.region"() ({
      %run_scoped3A = tpu.sem_alloc : memref<!tpu.dma_semaphore, #tpu.memory_space<semaphore_mem>>
      %dma_start3A = tpu.memref_slice %arg9[%mul3A_0] : memref<50176xf32, #tpu.memory_space<vmem_shared>> -> memref<3136xf32, #tpu.memory_space<vmem_shared>>
      %dma_start3A_12 = tpu.memref_slice %arg9[%mul3A_0] : memref<50176xf32, #tpu.memory_space<vmem_shared>> -> memref<3136xf32, #tpu.memory_space<vmem_shared>>
      tpu.enqueue_dma source(%arg8 : memref<3136xf32, #tpu.memory_space<vmem>>) target(%dma_start3A_12 : memref<3136xf32, #tpu.memory_space<vmem_shared>>) target_semaphore(%run_scoped3A : memref<!tpu.dma_semaphore, #tpu.memory_space<semaphore_mem>>)
      %dma_wait3A = tpu.memref_slice %arg9[%mul3A_0] : memref<50176xf32, #tpu.memory_space<vmem_shared>> -> memref<3136xf32, #tpu.memory_space<vmem_shared>>
      %dma_wait3A_13 = tpu.memref_slice %arg9[%mul3A_0] : memref<50176xf32, #tpu.memory_space<vmem_shared>> -> memref<3136xf32, #tpu.memory_space<vmem_shared>>
      tpu.wait_dma2 semaphore(%run_scoped3A : memref<!tpu.dma_semaphore, #tpu.memory_space<semaphore_mem>>) src(%arg8 : memref<3136xf32, #tpu.memory_space<vmem>>) dst(%dma_wait3A_13 : memref<3136xf32, #tpu.memory_space<vmem_shared>>)
      tpu.yield
    }) : () -> ()
    "tpu.region"() ({
      %run_scoped3A = tpu.sem_alloc : memref<!tpu.dma_semaphore, #tpu.memory_space<semaphore_mem>>
      tpu.enqueue_dma source(%arg4 : memref<128xf32, #tpu.memory_space<hbm>>) target(%arg7 : memref<128xf32, #tpu.memory_space<vmem>>) target_semaphore(%run_scoped3A : memref<!tpu.dma_semaphore, #tpu.memory_space<semaphore_mem>>)
      tpu.wait_dma2 semaphore(%run_scoped3A : memref<!tpu.dma_semaphore, #tpu.memory_space<semaphore_mem>>) src(%arg4 : memref<128xf32, #tpu.memory_space<hbm>>) dst(%arg7 : memref<128xf32, #tpu.memory_space<vmem>>)
      tpu.yield
    }) : () -> ()
    %barrier3A = arith.constant 0 : index
    tpu.barrier barrier_id(%barrier3A)
    %scan3A = arith.constant 0 : i32
    %scan3A_1 = arith.constant 196 : i32
    %scan3A_2 = arith.addi %scan3A, %scan3A_1 : i32
    %scan3A_3 = arith.constant 1 : i32
    scf.for %scan3A_12 = %scan3A to %scan3A_2 step %scan3A_3  : i32 {
      %mul3A_13 = arith.constant 1 : i32
      %mul3A_14 = arith.muli %scan3A_12, %mul3A_13 : i32
      %add3A_15 = arith.constant 0 : i32
      %add3A_16 = arith.addi %add3A_15, %mul3A_14 : i32
      %mul3A_17 = arith.constant 401408 : i32
      %mul3A_18 = arith.muli %arg0, %mul3A_17 : i32
      %mul3A_19 = arith.constant 25088 : i32
      %mul3A_20 = arith.muli %arg1, %mul3A_19 : i32
      %add3A_21 = arith.addi %mul3A_18, %mul3A_20 : i32
      %mul3A_22 = arith.constant 128 : i32
      %mul3A_23 = arith.muli %add3A_16, %mul3A_22 : i32
      %add3A_24 = arith.addi %add3A_21, %mul3A_23 : i32
      "tpu.region"() ({
        %run_scoped3A = tpu.sem_alloc : memref<!tpu.dma_semaphore, #tpu.memory_space<semaphore_mem>>
        %dma_start3A = tpu.memref_slice %arg2[%add3A_24] : memref<802816xi32, #tpu.memory_space<hbm>> -> memref<128xi32, #tpu.memory_space<hbm>>
        %dma_start3A_25 = tpu.memref_slice %arg2[%add3A_24] : memref<802816xi32, #tpu.memory_space<hbm>> -> memref<128xi32, #tpu.memory_space<hbm>>
        tpu.enqueue_dma source(%dma_start3A_25 : memref<128xi32, #tpu.memory_space<hbm>>) target(%arg6 : memref<128xi32, #tpu.memory_space<vmem>>) target_semaphore(%run_scoped3A : memref<!tpu.dma_semaphore, #tpu.memory_space<semaphore_mem>>)
        %dma_wait3A = tpu.memref_slice %arg2[%add3A_24] : memref<802816xi32, #tpu.memory_space<hbm>> -> memref<128xi32, #tpu.memory_space<hbm>>
        %dma_wait3A_26 = tpu.memref_slice %arg2[%add3A_24] : memref<802816xi32, #tpu.memory_space<hbm>> -> memref<128xi32, #tpu.memory_space<hbm>>
        tpu.wait_dma2 semaphore(%run_scoped3A : memref<!tpu.dma_semaphore, #tpu.memory_space<semaphore_mem>>) src(%dma_wait3A_26 : memref<128xi32, #tpu.memory_space<hbm>>) dst(%arg6 : memref<128xi32, #tpu.memory_space<vmem>>)
        tpu.yield
      }) : () -> ()
      "tpu.region"() ({
        %run_scoped3A = tpu.sem_alloc : memref<!tpu.dma_semaphore, #tpu.memory_space<semaphore_mem>>
        %dma_start3A = arith.constant 0 : i32
        %dma_start3A_25 = tpu.memref_slice %arg9[%dma_start3A] : memref<50176xf32, #tpu.memory_space<vmem_shared>> -> memref<50176xf32, #tpu.memory_space<vmem_shared>>
        tpu.enqueue_indirect_dma source(%arg7 : memref<128xf32, #tpu.memory_space<vmem>>) target(%dma_start3A_25 : memref<50176xf32, #tpu.memory_space<vmem_shared>>) offsets(%arg6 : memref<128xi32, #tpu.memory_space<vmem>>) semaphore(%run_scoped3A : memref<!tpu.dma_semaphore, #tpu.memory_space<semaphore_mem>>) {add = true}
        %dma_wait3A = arith.constant 0 : i32
        %dma_wait3A_26 = tpu.memref_slice %arg9[%dma_wait3A] : memref<50176xf32, #tpu.memory_space<vmem_shared>> -> memref<50176xf32, #tpu.memory_space<vmem_shared>>
        tpu.wait_indirect_dma semaphore(%run_scoped3A : memref<!tpu.dma_semaphore, #tpu.memory_space<semaphore_mem>>) src(%arg7 : memref<128xf32, #tpu.memory_space<vmem>>) dst(%dma_wait3A_26 : memref<50176xf32, #tpu.memory_space<vmem_shared>>)
        tpu.yield
      }) : () -> ()
    }
    %scan3A_4 = arith.constant 196 : i32
    %barrier3A_5 = arith.constant 0 : index
    tpu.barrier barrier_id(%barrier3A_5)
    %mul3A_6 = arith.constant 3136 : i32
    %mul3A_7 = arith.muli %arg1, %mul3A_6 : i32
    "tpu.region"() ({
      %run_scoped3A = tpu.sem_alloc : memref<!tpu.dma_semaphore, #tpu.memory_space<semaphore_mem>>
      %dma_start3A = tpu.memref_slice %arg9[%mul3A_7] : memref<50176xf32, #tpu.memory_space<vmem_shared>> -> memref<3136xf32, #tpu.memory_space<vmem_shared>>
      %dma_start3A_12 = tpu.memref_slice %arg9[%mul3A_7] : memref<50176xf32, #tpu.memory_space<vmem_shared>> -> memref<3136xf32, #tpu.memory_space<vmem_shared>>
      tpu.enqueue_dma source(%dma_start3A_12 : memref<3136xf32, #tpu.memory_space<vmem_shared>>) target(%arg8 : memref<3136xf32, #tpu.memory_space<vmem>>) target_semaphore(%run_scoped3A : memref<!tpu.dma_semaphore, #tpu.memory_space<semaphore_mem>>)
      %dma_wait3A = tpu.memref_slice %arg9[%mul3A_7] : memref<50176xf32, #tpu.memory_space<vmem_shared>> -> memref<3136xf32, #tpu.memory_space<vmem_shared>>
      %dma_wait3A_13 = tpu.memref_slice %arg9[%mul3A_7] : memref<50176xf32, #tpu.memory_space<vmem_shared>> -> memref<3136xf32, #tpu.memory_space<vmem_shared>>
      tpu.wait_dma2 semaphore(%run_scoped3A : memref<!tpu.dma_semaphore, #tpu.memory_space<semaphore_mem>>) src(%dma_wait3A_13 : memref<3136xf32, #tpu.memory_space<vmem_shared>>) dst(%arg8 : memref<3136xf32, #tpu.memory_space<vmem>>)
      tpu.yield
    }) : () -> ()
    %mul3A_8 = arith.constant 50176 : i32
    %mul3A_9 = arith.muli %arg0, %mul3A_8 : i32
    %mul3A_10 = arith.constant 3136 : i32
    %mul3A_11 = arith.muli %arg1, %mul3A_10 : i32
    %add3A = arith.addi %mul3A_9, %mul3A_11 : i32
    "tpu.region"() ({
      %run_scoped3A = tpu.sem_alloc : memref<!tpu.dma_semaphore, #tpu.memory_space<semaphore_mem>>
      %dma_start3A = tpu.memref_slice %arg5[%add3A] : memref<100352xf32, #tpu.memory_space<hbm>> -> memref<3136xf32, #tpu.memory_space<hbm>>
      %dma_start3A_12 = tpu.memref_slice %arg5[%add3A] : memref<100352xf32, #tpu.memory_space<hbm>> -> memref<3136xf32, #tpu.memory_space<hbm>>
      tpu.enqueue_dma source(%arg8 : memref<3136xf32, #tpu.memory_space<vmem>>) target(%dma_start3A_12 : memref<3136xf32, #tpu.memory_space<hbm>>) target_semaphore(%run_scoped3A : memref<!tpu.dma_semaphore, #tpu.memory_space<semaphore_mem>>)
      %dma_wait3A = tpu.memref_slice %arg5[%add3A] : memref<100352xf32, #tpu.memory_space<hbm>> -> memref<3136xf32, #tpu.memory_space<hbm>>
      %dma_wait3A_13 = tpu.memref_slice %arg5[%add3A] : memref<100352xf32, #tpu.memory_space<hbm>> -> memref<3136xf32, #tpu.memory_space<hbm>>
      tpu.wait_dma2 semaphore(%run_scoped3A : memref<!tpu.dma_semaphore, #tpu.memory_space<semaphore_mem>>) src(%arg8 : memref<3136xf32, #tpu.memory_space<vmem>>) dst(%dma_wait3A_13 : memref<3136xf32, #tpu.memory_space<hbm>>)
      tpu.yield
    }) : () -> ()
    return
  }
}

module attributes {stable_mosaic.version = 14 : i64} {
  func.func @_mlp_body(%arg0: i32, %arg1: memref<256x256xf32, #tpu.memory_space<vmem>>, %arg2: memref<256x1xf32, #tpu.memory_space<vmem>>, %arg3: memref<256x1024xf32, #tpu.memory_space<vmem>>, %arg4: memref<1x1024xf32, #tpu.memory_space<vmem>>, %arg5: memref<1024x256xf32, #tpu.memory_space<vmem>>, %arg6: memref<1x256xf32, #tpu.memory_space<vmem>>, %arg7: memref<256x64xf32, #tpu.memory_space<vmem>>, %arg8: memref<256x64xf32, #tpu.memory_space<vmem>>) attributes {dimension_semantics = [#tpu.dimension_semantics<arbitrary>], iteration_bounds = array<i64: 196>, scalar_prefetch = 0 : i64, scratch_operands = 0 : i64, tpu.core_type = #tpu.core_type<tc>, window_params = [{transform_indices = @transform_0, window_bounds = array<i64: 256, 256>}, {transform_indices = @transform_1, window_bounds = array<i64: 256, 1>}, {pipeline_mode = #tpu.pipeline_mode<synchronous>, transform_indices = @transform_2, window_bounds = array<i64: 256, 1024>}, {pipeline_mode = #tpu.pipeline_mode<synchronous>, transform_indices = @transform_3, window_bounds = array<i64: 1, 1024>}, {pipeline_mode = #tpu.pipeline_mode<synchronous>, transform_indices = @transform_4, window_bounds = array<i64: 1024, 256>}, {pipeline_mode = #tpu.pipeline_mode<synchronous>, transform_indices = @transform_5, window_bounds = array<i64: 1, 256>}, {pipeline_mode = #tpu.pipeline_mode<synchronous>, transform_indices = @transform_6, window_bounds = array<i64: 256, 64>}, {transform_indices = @transform_7, window_bounds = array<i64: 256, 64>}]} {
    %get3A = arith.constant 0 : index
    %get3A_0 = arith.constant 0 : index
    %get3A_1 = vector.load %arg1[%get3A, %get3A_0] : memref<256x256xf32, #tpu.memory_space<vmem>>, vector<256x256xf32>
    %get3A_2 = arith.constant 0 : index
    %get3A_3 = arith.constant 0 : index
    %get3A_4 = vector.load %arg3[%get3A_2, %get3A_3] : memref<256x1024xf32, #tpu.memory_space<vmem>>, vector<256x1024xf32>
    %dot_general3A = arith.constant dense<0.000000e+00> : vector<256x1024xf32>
    %dot_general3A_5 = tpu.matmul %get3A_1, %get3A_4, %dot_general3A {dimension_numbers = #tpu.dot_dimension_numbers<[1], [0], [0], [1], [0, 0, 1, 1], [], []>, transpose_lhs_hint = false} : vector<256x256xf32>, vector<256x1024xf32>, vector<256x1024xf32> -> vector<256x1024xf32>
    %get3A_6 = arith.constant 0 : index
    %get3A_7 = arith.constant 0 : index
    %get3A_8 = vector.load %arg4[%get3A_6, %get3A_7] : memref<1x1024xf32, #tpu.memory_space<vmem>>, vector<1x1024xf32>
    %add3A = vector.broadcast %get3A_8 : vector<1x1024xf32> to vector<256x1024xf32>
    %add3A_9 = arith.addf %dot_general3A_5, %add3A : vector<256x1024xf32>
    %max3A = arith.constant 0.000000e+00 : f32
    %max3A_10 = vector.broadcast %max3A : f32 to vector<256x1024xf32>
    %max3A_11 = arith.maximumf %add3A_9, %max3A_10 : vector<256x1024xf32>
    %get3A_12 = arith.constant 0 : index
    %get3A_13 = arith.constant 0 : index
    %get3A_14 = vector.load %arg5[%get3A_12, %get3A_13] : memref<1024x256xf32, #tpu.memory_space<vmem>>, vector<1024x256xf32>
    %dot_general3A_15 = arith.constant dense<0.000000e+00> : vector<256x256xf32>
    %dot_general3A_16 = tpu.matmul %max3A_11, %get3A_14, %dot_general3A_15 {dimension_numbers = #tpu.dot_dimension_numbers<[1], [0], [0], [1], [0, 0, 1, 1], [], []>, transpose_lhs_hint = false} : vector<256x1024xf32>, vector<1024x256xf32>, vector<256x256xf32> -> vector<256x256xf32>
    %get3A_17 = arith.constant 0 : index
    %get3A_18 = arith.constant 0 : index
    %get3A_19 = vector.load %arg6[%get3A_17, %get3A_18] : memref<1x256xf32, #tpu.memory_space<vmem>>, vector<1x256xf32>
    %add3A_20 = vector.broadcast %get3A_19 : vector<1x256xf32> to vector<256x256xf32>
    %add3A_21 = arith.addf %dot_general3A_16, %add3A_20 : vector<256x256xf32>
    %max3A_22 = arith.constant 0.000000e+00 : f32
    %max3A_23 = vector.broadcast %max3A_22 : f32 to vector<256x256xf32>
    %max3A_24 = arith.maximumf %add3A_21, %max3A_23 : vector<256x256xf32>
    %get3A_25 = arith.constant 0 : index
    %get3A_26 = arith.constant 0 : index
    %get3A_27 = vector.load %arg7[%get3A_25, %get3A_26] : memref<256x64xf32, #tpu.memory_space<vmem>>, vector<256x64xf32>
    %dot_general3A_28 = arith.constant dense<0.000000e+00> : vector<256x64xf32>
    %dot_general3A_29 = tpu.matmul %max3A_24, %get3A_27, %dot_general3A_28 {dimension_numbers = #tpu.dot_dimension_numbers<[1], [0], [0], [1], [0, 0, 1, 1], [], []>, transpose_lhs_hint = false} : vector<256x256xf32>, vector<256x64xf32>, vector<256x64xf32> -> vector<256x64xf32>
    %get3A_30 = arith.constant 0 : index
    %get3A_31 = arith.constant 0 : index
    %get3A_32 = vector.load %arg7[%get3A_30, %get3A_31] : memref<256x64xf32, #tpu.memory_space<vmem>>, vector<256x64xf32>
    %dot_general3A_33 = arith.constant dense<0.000000e+00> : vector<256x64xf32>
    %dot_general3A_34 = tpu.matmul %get3A_1, %get3A_32, %dot_general3A_33 {dimension_numbers = #tpu.dot_dimension_numbers<[1], [0], [0], [1], [0, 0, 1, 1], [], []>, transpose_lhs_hint = false} : vector<256x256xf32>, vector<256x64xf32>, vector<256x64xf32> -> vector<256x64xf32>
    %get3A_35 = arith.constant 0 : index
    %get3A_36 = arith.constant 0 : index
    %get3A_37 = vector.load %arg2[%get3A_35, %get3A_36] : memref<256x1xf32, #tpu.memory_space<vmem>>, vector<256x1xf32>
    %mul3A = vector.broadcast %get3A_37 : vector<256x1xf32> to vector<256x64xf32>
    %mul3A_38 = arith.mulf %mul3A, %dot_general3A_34 : vector<256x64xf32>
    %sub3A = arith.constant 1.000000e+00 : f32
    %sub3A_39 = vector.broadcast %sub3A : f32 to vector<256x1xf32>
    %sub3A_40 = arith.subf %sub3A_39, %get3A_37 : vector<256x1xf32>
    %mul3A_41 = vector.broadcast %sub3A_40 : vector<256x1xf32> to vector<256x64xf32>
    %mul3A_42 = arith.mulf %mul3A_41, %dot_general3A_29 : vector<256x64xf32>
    %add3A_43 = arith.addf %mul3A_38, %mul3A_42 : vector<256x64xf32>
    %swap3A = arith.constant 0 : index
    %swap3A_44 = arith.constant 0 : index
    %swap3A_45 = vector.load %arg8[%swap3A, %swap3A_44] : memref<256x64xf32, #tpu.memory_space<vmem>>, vector<256x64xf32>
    tpu.vector_store %arg8[%swap3A, %swap3A_44], %add3A_43 {strides = array<i32>} : memref<256x64xf32, #tpu.memory_space<vmem>>, vector<256x64xf32>,
    return
  }
  func.func @transform_0(%arg0: i32) -> (i32, i32) {
    %c0_i32 = arith.constant 0 : i32
    %c0_i32_0 = arith.constant 0 : i32
    return %arg0, %c0_i32 : i32, i32
  }
  func.func @transform_1(%arg0: i32) -> (i32, i32) {
    %c0_i32 = arith.constant 0 : i32
    %c0_i32_0 = arith.constant 0 : i32
    return %arg0, %c0_i32 : i32, i32
  }
  func.func @transform_2(%arg0: i32) -> (i32, i32) {
    %c0_i32 = arith.constant 0 : i32
    %c0_i32_0 = arith.constant 0 : i32
    %c0_i32_1 = arith.constant 0 : i32
    return %c0_i32, %c0_i32_0 : i32, i32
  }
  func.func @transform_3(%arg0: i32) -> (i32, i32) {
    %c0_i32 = arith.constant 0 : i32
    %c0_i32_0 = arith.constant 0 : i32
    %c0_i32_1 = arith.constant 0 : i32
    return %c0_i32, %c0_i32_0 : i32, i32
  }
  func.func @transform_4(%arg0: i32) -> (i32, i32) {
    %c0_i32 = arith.constant 0 : i32
    %c0_i32_0 = arith.constant 0 : i32
    %c0_i32_1 = arith.constant 0 : i32
    return %c0_i32, %c0_i32_0 : i32, i32
  }
  func.func @transform_5(%arg0: i32) -> (i32, i32) {
    %c0_i32 = arith.constant 0 : i32
    %c0_i32_0 = arith.constant 0 : i32
    %c0_i32_1 = arith.constant 0 : i32
    return %c0_i32, %c0_i32_0 : i32, i32
  }
  func.func @transform_6(%arg0: i32) -> (i32, i32) {
    %c0_i32 = arith.constant 0 : i32
    %c0_i32_0 = arith.constant 0 : i32
    %c0_i32_1 = arith.constant 0 : i32
    return %c0_i32, %c0_i32_0 : i32, i32
  }
  func.func @transform_7(%arg0: i32) -> (i32, i32) {
    %c0_i32 = arith.constant 0 : i32
    %c0_i32_0 = arith.constant 0 : i32
    return %arg0, %c0_i32 : i32, i32
  }
}

module attributes {stable_mosaic.version = 14 : i64} {
  func.func @_scale_body(%arg0: i32, %arg1: memref<2x256xf32, #tpu.memory_space<vmem>>, %arg2: memref<256x64xf32, #tpu.memory_space<vmem>>, %arg3: memref<1x64xf32, #tpu.memory_space<vmem>>, %arg4: memref<2x256x32xf32, #tpu.memory_space<vmem>>, %arg5: memref<256x64xf32, #tpu.memory_space<vmem>>, %arg6: memref<256x1xf32, #tpu.memory_space<vmem>>) attributes {dimension_semantics = [#tpu.dimension_semantics<arbitrary>], iteration_bounds = array<i64: 196>, scalar_prefetch = 0 : i64, scratch_operands = 0 : i64, tpu.core_type = #tpu.core_type<tc>, window_params = [{transform_indices = @transform_0, window_bounds = array<i64: 2, 256>}, {transform_indices = @transform_1, window_bounds = array<i64: 256, 64>}, {pipeline_mode = #tpu.pipeline_mode<synchronous>, transform_indices = @transform_2, window_bounds = array<i64: 1, 64>}, {transform_indices = @transform_3, window_bounds = array<i64: 2, 256, 32>}, {transform_indices = @transform_4, window_bounds = array<i64: 256, 64>}, {transform_indices = @transform_5, window_bounds = array<i64: 256, 1>}]} {
    %get3A = arith.constant 0 : index
    %get3A_0 = arith.constant 0 : index
    %get3A_1 = vector.load %arg1[%get3A, %get3A_0] : memref<2x256xf32, #tpu.memory_space<vmem>>, vector<2x256xf32>
    %slice3A = vector.extract_strided_slice %get3A_1 {offsets = [0, 0], sizes = [1, 256], strides = [1, 1]} : vector<2x256xf32> to vector<1x256xf32>
    %squeeze3A = vector.shape_cast %slice3A : vector<1x256xf32> to vector<256xf32>
    %slice3A_2 = vector.extract_strided_slice %get3A_1 {offsets = [1, 0], sizes = [1, 256], strides = [1, 1]} : vector<2x256xf32> to vector<1x256xf32>
    %squeeze3A_3 = vector.shape_cast %slice3A_2 : vector<1x256xf32> to vector<256xf32>
    %add3A = arith.addf %squeeze3A, %squeeze3A_3 : vector<256xf32>
    %add3A_4 = arith.constant 1.000000e+00 : f32
    %add3A_5 = vector.broadcast %add3A_4 : f32 to vector<256xf32>
    %add3A_6 = arith.addf %add3A, %add3A_5 : vector<256xf32>
    %rsqrt3A = math.rsqrt %add3A_6 : vector<256xf32>
    %broadcast_in_dim3A = vector.shape_cast %rsqrt3A : vector<256xf32> to vector<256x1xf32>
    %get3A_7 = arith.constant 0 : index
    %get3A_8 = arith.constant 0 : index
    %get3A_9 = vector.load %arg2[%get3A_7, %get3A_8] : memref<256x64xf32, #tpu.memory_space<vmem>>, vector<256x64xf32>
    %mul3A = vector.broadcast %broadcast_in_dim3A : vector<256x1xf32> to vector<256x64xf32>
    %mul3A_10 = arith.mulf %get3A_9, %mul3A : vector<256x64xf32>
    %slice3A_11 = vector.extract_strided_slice %mul3A_10 {offsets = [0, 0], sizes = [256, 32], strides = [1, 1]} : vector<256x64xf32> to vector<256x32xf32>
    %swap3A = arith.constant 0 : index
    %swap3A_12 = arith.constant 0 : index
    %swap3A_13 = arith.constant 0 : index
    %swap3A_14 = vector.load %arg4[%swap3A, %swap3A_12, %swap3A_13] : memref<2x256x32xf32, #tpu.memory_space<vmem>>, vector<1x256x32xf32>
    %swap3A_15 = vector.shape_cast %swap3A_14 : vector<1x256x32xf32> to vector<256x32xf32>
    %swap3A_16 = vector.shape_cast %slice3A_11 : vector<256x32xf32> to vector<1x256x32xf32>
    tpu.vector_store %arg4[%swap3A, %swap3A_12, %swap3A_13], %swap3A_16 {strides = array<i32>} : memref<2x256x32xf32, #tpu.memory_space<vmem>>, vector<1x256x32xf32>,
    %slice3A_17 = vector.extract_strided_slice %mul3A_10 {offsets = [0, 32], sizes = [256, 32], strides = [1, 1]} : vector<256x64xf32> to vector<256x32xf32>
    %swap3A_18 = arith.constant 1 : index
    %swap3A_19 = arith.constant 0 : index
    %swap3A_20 = arith.constant 0 : index
    %swap3A_21 = vector.load %arg4[%swap3A_18, %swap3A_19, %swap3A_20] : memref<2x256x32xf32, #tpu.memory_space<vmem>>, vector<1x256x32xf32>
    %swap3A_22 = vector.shape_cast %swap3A_21 : vector<1x256x32xf32> to vector<256x32xf32>
    %swap3A_23 = vector.shape_cast %slice3A_17 : vector<256x32xf32> to vector<1x256x32xf32>
    tpu.vector_store %arg4[%swap3A_18, %swap3A_19, %swap3A_20], %swap3A_23 {strides = array<i32>} : memref<2x256x32xf32, #tpu.memory_space<vmem>>, vector<1x256x32xf32>,
    %mul3A_24 = arith.mulf %broadcast_in_dim3A, %broadcast_in_dim3A : vector<256x1xf32>
    %mul3A_25 = vector.broadcast %mul3A_24 : vector<256x1xf32> to vector<256x64xf32>
    %mul3A_26 = arith.mulf %get3A_9, %mul3A_25 : vector<256x64xf32>
    %get3A_27 = arith.constant 0 : index
    %get3A_28 = arith.constant 0 : index
    %get3A_29 = vector.load %arg3[%get3A_27, %get3A_28] : memref<1x64xf32, #tpu.memory_space<vmem>>, vector<1x64xf32>
    %add3A_30 = vector.broadcast %get3A_29 : vector<1x64xf32> to vector<256x64xf32>
    %add3A_31 = arith.addf %mul3A_26, %add3A_30 : vector<256x64xf32>
    %swap3A_32 = arith.constant 0 : index
    %swap3A_33 = arith.constant 0 : index
    %swap3A_34 = vector.load %arg5[%swap3A_32, %swap3A_33] : memref<256x64xf32, #tpu.memory_space<vmem>>, vector<256x64xf32>
    tpu.vector_store %arg5[%swap3A_32, %swap3A_33], %add3A_31 {strides = array<i32>} : memref<256x64xf32, #tpu.memory_space<vmem>>, vector<256x64xf32>,
    %swap3A_35 = arith.constant 0 : index
    %swap3A_36 = arith.constant 0 : index
    %swap3A_37 = vector.load %arg6[%swap3A_35, %swap3A_36] : memref<256x1xf32, #tpu.memory_space<vmem>>, vector<256x1xf32>
    tpu.vector_store %arg6[%swap3A_35, %swap3A_36], %broadcast_in_dim3A {strides = array<i32>} : memref<256x1xf32, #tpu.memory_space<vmem>>, vector<256x1xf32>,
    return
  }
  func.func @transform_0(%arg0: i32) -> (i32, i32) {
    %c0_i32 = arith.constant 0 : i32
    %c0_i32_0 = arith.constant 0 : i32
    return %c0_i32, %arg0 : i32, i32
  }
  func.func @transform_1(%arg0: i32) -> (i32, i32) {
    %c0_i32 = arith.constant 0 : i32
    %c0_i32_0 = arith.constant 0 : i32
    return %arg0, %c0_i32 : i32, i32
  }
  func.func @transform_2(%arg0: i32) -> (i32, i32) {
    %c0_i32 = arith.constant 0 : i32
    %c0_i32_0 = arith.constant 0 : i32
    %c0_i32_1 = arith.constant 0 : i32
    return %c0_i32, %c0_i32_0 : i32, i32
  }
  func.func @transform_3(%arg0: i32) -> (i32, i32, i32) {
    %c0_i32 = arith.constant 0 : i32
    %c0_i32_0 = arith.constant 0 : i32
    %c0_i32_1 = arith.constant 0 : i32
    return %c0_i32, %arg0, %c0_i32_0 : i32, i32, i32
  }
  func.func @transform_4(%arg0: i32) -> (i32, i32) {
    %c0_i32 = arith.constant 0 : i32
    %c0_i32_0 = arith.constant 0 : i32
    return %arg0, %c0_i32 : i32, i32
  }
  func.func @transform_5(%arg0: i32) -> (i32, i32) {
    %c0_i32 = arith.constant 0 : i32
    %c0_i32_0 = arith.constant 0 : i32
    return %arg0, %c0_i32 : i32, i32
  }
}

</mosaic_0001>

<sc_bundles>
// kernel: kernel.6.cloned.1.call-start
scs
__scs_entry_jumppad:
0x0: {  	(pc) =	sbr.rel $0x88, $3  }
0x1: {  	(tag) =	ssettag $0x0;
	lr =	simm.s32 $0x1  }
0x2: {  	[smem:$0x3F98] =	sst lr;
	_ =	strace $0xD0000000  }
0x3: {  	_ = 	snop  }
0x4: {  	_ = 	snop  }
0x5: {  	_ = 	snop  }
0x6: {  	_ = 	snop  }
0x7: {  	_ = 	snop  }
__scs_overlays_trampoline_lowered:
0x8: {  	[smem:$0x3FA7] =	sst s0  }
0x9: {  	[smem:$0x3FA8] =	sst s1  }
0xa: {  	[smem:$0x3FA9] =	sst s2  }
0xb: {  	[smem:$0x3FAA] =	sst s3  }
0xc: {  	[smem:$0x3FAB] =	sst s4  }
0xd: {  	[smem:$0x3FAC] =	sst s5  }
0xe: {  	[smem:$0x3FAD] =	sst s6  }
0xf: {  	[smem:$0x3FAE] =	sst s7  }
0x10: {  	[smem:$0x3FAF] =	sst s8  }
0x11: {  	[smem:$0x3FB0] =	sst s9;
	s0 =	simm.s32 @!p0 $0x0  }
0x12: {  	s1 =	sld [smem:$0x3F96];
	s0 =	simm.s32 @p0 $0x1  }
0x13: {  	[smem:$0x3FB1] =	sst s0;
	s0 =	simm.s32 @!p1 $0x0  }
0x14: {  	s2 =	sld [smem:$0x3F95];
	s0 =	simm.s32 @p1 $0x1  }
0x15: {  	[smem:$0x3FB2] =	sst s0;
	s0 =	simm.s32 @!p2 $0x0  }
0x16: {  	s3 =	sld [smem:$0x3FDB];
	s0 =	simm.s32 @p2 $0x1  }
0x17: {  	s4 =	simm.s32 $0x1BF5;
	[smem:$0x3FB4] =	sst s0  }
0x18: {  	s0 =	sld [smem:$0x3F97];
	_ =	swait.ge [sflag:s4], $0x0  }
0x19: {  	s7 =	sld [smem:$0x3F98]  }
0x1a: {  	s8 =	sadd.s32 $0xFFFFE003, lr  }
0x1b: {  	s9 =	sadd.s32 $0xFFFFFEF7, lr;
	s5 =	simm.s32 $0xFFFFFFFF;
	p2 =	slt.u32 s8, $0xFFFFF086  }
0x1c: {  	p1 =	slt.u32 s9, $0xF7A;
	s5 =	simm.s32 @!p2 $0x0  }
0x1d: {  	s5 =	simm.s32 @p1 $0x1;
	p0 =	seq.s32 s7, s2  }
0x1e: {  	s7 =	smul.u32 @!p0 $0xF7A, s2;
	p2 =	seq.s32 @!p0 s5, $0x0  }
0x1f: {  	s9 =	smul.u32 $0xF7A, s1;
	s8 =	simm.s32 @!p0 $0x1BF5;
	p2 =	por !p2, p0  }
0x20: {  	[sflag:s8] =	ssyncset.s32 @!p0 $0xFFFFF086;
	s6 =	sadd.s32 @!p0 s3, s7;
	s7 =	simm.s32 @!p0 $0x108  }
0x21: {  	s3 =	sadd.s32 s3, s9;
	s6 =	sadd.s32 @!p0 $0x88, s6;
	s7 =	simm.s32 @p2 $0x1082  }
0x22: {  	[simem:s7], [sflag:s8] =	dma.local @!p0 [hbm:s6], $0xF7A  }
0x23: {  	s9 =	sor.u32 $0xD0000000, s2;
	s6 =	simm.s32 $0x108;
	_ =	swait.ge @!p0 [sflag:s8], $0x0  }
0x24: {  	s3 =	sadd.s32 $0x88, s3;
	s6 =	simm.s32 @!p1 $0x1082;
	[sflag:s4] =	ssyncset.s32 $0xFFFFF086  }
0x25: {  	[simem:s6], [sflag:s4] =	dma.local [hbm:s3], $0xF7A  }
0x26: {  	[smem:$0x3F98] =	sst s1;
	(tag) =	ssettag s2;
	_ =	strace s9  }
0x27: {  	s1 =	sld [smem:$0x3FA8]  }
0x28: {  	s2 =	sld [smem:$0x3FA9]  }
0x29: {  	s4 =	sld [smem:$0x3FAB]  }
0x2a: {  	p0 =	seq.s32 s5, $0x0;
	s5 =	sld [smem:$0x3FAC]  }
0x2b: {  	s6 =	sld [smem:$0x3FAD]  }
0x2c: {  	s7 =	sld [smem:$0x3FAE]  }
0x2d: {  	s3 =	simm.s32 $0x108;
	s8 =	sld [smem:$0x3FAF]  }
0x2e: {  	s3 =	simm.s32 @!p0 $0x1082;
	s9 =	sld [smem:$0x3FB0]  }
0x2f: {  	lr =	sadd.s32 s0, s3;
	s0 =	sld [smem:$0x3FA7]  }
0x30: {  	s3 =	sld [smem:$0x3FAA]  }
0x31: {  	[smem:$0x3FB3] =	sst s10  }
0x32: {  	s10 =	sld [smem:$0x3FB1];
	_ =	sdelay $0x3  }
0x33: {  	p0 =	seq.s32 s10, $0x1;
	s10 =	sld [smem:$0x3FB3];
	_ =	sdelay $0x3  }
0x34: {  	[smem:$0x3FB3] =	sst s10  }
0x35: {  	s10 =	sld [smem:$0x3FB2];
	_ =	sdelay $0x3  }
0x36: {  	p1 =	seq.s32 s10, $0x1;
	s10 =	sld [smem:$0x3FB3];
	_ =	sdelay $0x3  }
0x37: {  	[smem:$0x3FB3] =	sst s10  }
0x38: {  	s10 =	sld [smem:$0x3FB4]  }
0x39: {  	_ = 	snop;
	(pc) =	sbr.ind lr, $3  }
0x3a: {  	_ = 	snop  }
0x3b: {  	_ = 	snop  }
0x3c: {  	p2 =	seq.s32 s10, $0x1;
	s10 =	sld [smem:$0x3FB3]  }
0x3d: {  	_ =	shalt  }
0x3e: {  	_ =	shalt  }
0x3f: {  	_ =	shalt  }
0x40: {  	_ =	shalt  }
0x41: {  	_ =	shalt  }
0x42: {  	_ =	shalt  }
0x43: {  	_ =	shalt  }
0x44: {  	_ =	shalt  }
0x45: {  	_ =	shalt  }
0x46: {  	_ =	shalt  }
0x47: {  	_ =	shalt  }
0x48: {  	_ =	shalt  }
0x49: {  	_ =	shalt  }
0x4a: {  	_ =	shalt  }
0x4b: {  	_ =	shalt  }
0x4c: {  	_ =	shalt  }
0x4d: {  	_ =	shalt  }
0x4e: {  	_ =	shalt  }
0x4f: {  	_ =	shalt  }
0x50: {  	_ =	shalt  }
0x51: {  	_ =	shalt  }
0x52: {  	_ =	shalt  }
0x53: {  	_ =	shalt  }
0x54: {  	_ =	shalt  }
0x55: {  	_ =	shalt  }
0x56: {  	_ =	shalt  }
0x57: {  	_ =	shalt  }
0x58: {  	_ =	shalt  }
0x59: {  	_ =	shalt  }
0x5a: {  	_ =	shalt  }
0x5b: {  	_ =	shalt  }
0x5c: {  	_ =	shalt  }
0x5d: {  	_ =	shalt  }
0x5e: {  	_ =	shalt  }
0x5f: {  	_ =	shalt  }
0x60: {  	_ =	shalt  }
0x61: {  	_ =	shalt  }
0x62: {  	_ =	shalt  }
0x63: {  	_ =	shalt  }
0x64: {  	_ =	shalt  }
0x65: {  	_ =	shalt  }
0x66: {  	_ =	shalt  }
0x67: {  	_ =	shalt  }
0x68: {  	_ =	shalt  }
0x69: {  	_ =	shalt  }
0x6a: {  	_ =	shalt  }
0x6b: {  	_ =	shalt  }
0x6c: {  	_ =	shalt  }
0x6d: {  	_ =	shalt  }
0x6e: {  	_ =	shalt  }
0x6f: {  	_ =	shalt  }
0x70: {  	_ =	shalt  }
0x71: {  	_ =	shalt  }
0x72: {  	_ =	shalt  }
0x73: {  	_ =	shalt  }
0x74: {  	_ =	shalt  }
0x75: {  	_ =	shalt  }
0x76: {  	_ =	shalt  }
0x77: {  	_ =	shalt  }
0x78: {  	_ =	shalt  }
0x79: {  	_ =	shalt  }
0x7a: {  	_ =	shalt  }
0x7b: {  	_ =	shalt  }
0x7c: {  	_ =	shalt  }
0x7d: {  	_ =	shalt  }
0x7e: {  	_ =	shalt  }
0x7f: {  	_ =	shalt  }
0x80: {  	_ =	shalt  }
0x81: {  	_ =	shalt  }
0x82: {  	_ =	shalt  }
0x83: {  	_ =	shalt  }
0x84: {  	_ =	shalt  }
0x85: {  	_ =	shalt  }
0x86: {  	_ =	shalt  }
0x87: {  	_ =	shalt  }
.Lfunc_end0:
.L_simem_size_0:
called_computation_lowered:
.L_overlay_start_0:
0x88: {  	s2 =	sld [smem:$0x3FD9]  }
0x89: {  	s3 =	sld [smem:$0x3FFE];
	_ =	sdelay $0x1  }
0x8a: {  	s1 =	srdreg.scid  }
0x8b: {  	s0 =	sand.u32 $0x1, s1  }
0x8c: {  	s17 =	sshll.u32 s0, $0xA;
	s2 =	sadd.s32 s3, s2  }
0x8d: {  	s2 =	sadd.s32 s2, s17  }
0x8e: {  	[smem:$0x3FBF] =	sst s2  }
0x8f: {  	_ = 	snop  }
0x90: {  	s2 =	sld [smem:$0x3FD0];
	(tm) =	ssettm $0x1  }
0x91: {  	s18 =	sld [smem:$0x3FFB];
	_ =	sdelay $0x3  }
0x92: {  	_ =	strace s18  }
0x93: {  	s3 =	sld [smem:$0x3FFC];
	_ =	sdelay $0x3  }
0x94: {  	_ =	strace s3  }
0x95: {  	s3 =	sld [smem:$0x3FFD];
	_ =	sdelay $0x3  }
0x96: {  	_ =	strace s3  }
0x97: {  	_ =	strace $0x8FFFFFFF  }
0x98: {  	s19 =	sld [smem:$0x3FDB];
	_ =	sdelay $0x1  }
0x99: {  	s4 =	simm.s32 $_scs_section_size  }
0x9a: {  	s5 =	simm.s32 $_size__tile_overlayer_lowered;
	s6 =	simm.s32 $_tile_overlayer_lowered  }
0x9b: {  	s22 =	simm.s32 $0x1BFF;
	s21 =	sshll.u32 s6, $0x1;
	s3 =	sadd.s32 s4, s19  }
0x9c: {  	s7 =	simm.s32 $0x0;
	s20 =	sshll.u32 s5, $0x1;
	s5 =	sadd.s32 s21, s3  }
0x9d: {  	[timem:s7], [sflag:s22] =	dma.local [hbm:s5], s20  }
0x9e: {  	_ =	swait.ge [sflag:s22], s20  }
0x9f: {  	s4 =	ssub.s32 $0x0, s20;
	[sflag:s22] =	ssyncset.done $0x0  }
0xa0: {  	[sflag:s22] =	ssyncadd.s32 s4;
	_ =	sdelay $0x1  }
0xa1: {  	s23 =	simm.s32 $0x1B8B  }
0xa2: {  	_ =	swait.ge [sflag:s23], $0x1  }
0xa3: {  	[sflag:s23] =	ssyncset.done $0x0  }
0xa4: {  	s25 =	simm.s32 $0x1B8E;
	s24 =	sld [smem:$0x3FFE];
	[sflag:s23] =	ssyncadd.s32 $0xFFFFFFFF  }
0xa5: {  	s26 =	simm.s32 $execute0_lowered;
	[smem:$0x3FD2] =	sst s25  }
0xa6: {  	s5 =	sshll.u32 s26, $0x1;
	_ =	strace $0x80000046;
	[dreg:$0x1] =	wrdreg $0xFFFFFFFF  }
0xa7: {  	s28 =	simm.s32 $_size_execute0_lowered;
	s3 =	sadd.s32 s3, s5;
	[dreg:$0x0] =	wrdreg $0x0  }
0xa8: {  	s5 =	sshll.u32 s28, $0x1;
	[dreg:$0x2] =	wrdreg s3  }
0xa9: {  	[dreg:$0x3] =	wrdreg s5  }
0xaa: {  	[dreg:$0x4] =	wrdreg $0xC0  }
0xab: {  	_ =	task [dreg:s7], $0x5FFFF  }
0xac: {  	[dreg:$0x1] =	wrdreg $0xFFFFFFFF  }
0xad: {  	[dreg:$0x0] =	wrdreg $0x60  }
0xae: {  	[dreg:$0x2] =	wrdreg s2  }
0xaf: {  	[dreg:$0x3] =	wrdreg s24  }
0xb0: {  	[dreg:$0x4] =	wrdreg $0xD400  }
0xb1: {  	[dreg:$0x5] =	wrdreg $0x9  }
0xb2: {  	_ =	task.clear_ibuf [dreg:s7], $0x6FFFF;
	_ =	strace $0x90000046  }
0xb3: {  	s29 =	simm.s32 $0x9;
	_ =	strace $0x80000048  }
0xb4: {  	_ =	swait.ge [sflag:s29], $0x1  }
0xb5: {  	[sflag:s29] =	ssyncadd.s32 $0xFFFFFFFF  }
0xb6: {  	_ =	strace $0x90000048  }
0xb7: {  	_ =	sfence  }
0xb8: {  	s30 =	sld [smem:$0x0];
	_ =	sdelay $0x2  }
0xb9: {  	s31 =	sshll.u32 s1, $0xD;
	s1 =	sshrl.u32 s1, $0x2  }
0xba: {  	s3 =	sand.u32 $0x4000, s31;
	s1 =	sadd.s32 s1, s30  }
0xbb: {  	s0 =	sor.u32 s3, s0;
	s1 =	sshll.u32 s1, $0x11  }
0xbc: {  	s0 =	sor.u32 s1, s0  }
0xbd: {  	s0 =	sadd.s32 $0x8F2B, s0  }
0xbe: {  	[sflag:s0] =	ssyncadd.remote.s32 $0x1  }
0xbf: {  	_ =	sfence.sel $0xFFFF  }
0xc0: {  	[dreg:$0x0] =	wrdreg $0xFFFFFFFF;
	(pc) =	sbr.abs _section_cstart, $3  }
0xc1: {  	[dreg:$0x1] =	wrdreg $0xFFFFFFFF  }
0xc2: {  	_ =	task.clear_ibuf [dreg:s7], $0x2FFFF;
	_ =	strace $0x9FFFFFFF  }
0xc3: {  	(tm) =	ssettm $0x7FFFFFFF  }
tec
execute0_lowered:
.L_overlay_start_1:
0x0: {  	(tag) =	ssettag $0x1  }
0x1: {  	s9 =	rddreg [dreg:$0x0]  }
0x2: {  	s2 =	rddreg [dreg:$0x1]  }
0x3: {  	s3 =	rddreg [dreg:$0x2]  }
0x4: {  	s0 =	rddreg [dreg:$0x3];
	s1 =	stileid.u32  }
0x5: {  	s5 =	srdreg.scid;
	s6 =	smul.u32 $0xC40, s1  }
0x6: {  	s4 =	simm.s32 $0x0;
	s5 =	sand.u32 $0x1, s5;
	s11 =	smul.u32 $0x6200, s1  }
0x7: {  	s13 =	simm.s32 $0x0;
	[smem:$0x7FF] =	sst s4;
	s7 =	smul.u32 $0xC400, s5  }
0x8: {  	_ =	strace $0x80000047;
	s8 =	smul.u32 $0x62000, s5;
	s10 =	ssub.s32 $0x2, s5  }
0x9: {  	s5 =	sadd.s32 $0x200, s2;
	s12 =	sshrl.u32 s10, $0x1;
	s7 =	sadd.s32 s6, s7  }
0xa: {  	s10 =	ssub.s32 s10, s12;
	s8 =	sadd.s32 s11, s8;
	s6 =	sadd.s32 s6, s3  }
0xb: {  	s12 =	simm.s32 $0x80;
	s7 =	sshrl.u32 s7, $0x3;
	s11 =	sshrl.u32 s8, $0x3  }
0xc: {  	s8 =	smax.u32 s10, $0x1;
	s10 =	simm.s32 $0x100;
	s7 =	sadd.s32 s7, s2  }
0xd: {  	s9 =	sadd.s32 s11, s9;
	s11 =	simm.s32 $0x1;
	s7 =	sadd.s32 $0x400, s7  }
.LBB2_1:
0xe: {  	[tilespmem:s10], [sflag:$0x1] =	stream.linear.gather [hbm4b:s5+s4], $0xC40, $0x38;
	[tilespmem:$0x1980] =	vst v63  }
0xf: {  	_ =	swait.ge [sflag:s11], $0xC40  }
0x10: {  	[sflag:s11] =	ssyncset.done $0x0  }
0x11: {  	[sflag:s11] =	ssyncadd.s32 $0xFFFFF3C0  }
0x12: {  	[spmem:s6] =	stream.linear.scatter [tilespmem:s10], [sflag:$0x1], $0xC40, $0x38;
	[tilespmem:$0x1980] =	vst v63  }
0x13: {  	_ =	swait.ge [sflag:s11], $0xC40  }
0x14: {  	[sflag:s11] =	ssyncset.done $0x0  }
0x15: {  	[sflag:s11] =	ssyncadd.s32 $0xFFFFF3C0  }
0x16: {  	[tilespmem:s12], [sflag:$0x1] =	stream.linear.gather [hbm4b:s2+s4], $0x80, $0x38;
	[tilespmem:$0x1980] =	vst v63  }
0x17: {  	_ =	swait.ge [sflag:s11], $0x80  }
0x18: {  	[sflag:s11] =	ssyncset.done $0x0  }
0x19: {  	[sflag:s11] =	ssyncadd.s32 $0xFFFFFF80  }
0x1a: {  	s14 =	sadd.s32 $0x0, s9;
	[bflag:$0x0] =	sbarrier.arrive $0xFFFF  }
0x1b: {  	[tilespmem:s4], [sflag:$0x1] =	stream.linear.gather [hbm4b:s14+s4], $0x80, $0x38;
	[tilespmem:$0x1980] =	vst v63  }
0x1c: {  	_ =	swait.ge [sflag:s11], $0x80  }
0x1d: {  	[sflag:s11] =	ssyncset.done $0x0  }
0x1e: {  	[sflag:s11] =	ssyncadd.s32 $0xFFFFFF80  }
0x1f: {  	[spmem:s3] =	stream.indirect.scatter.add.f32 [tilespmem:s12], [sflag:$0x1], $0x1, s4, s12, $0xb8;
	[tilespmem:$0x1980] =	vst v63  }
0x20: {  	_ =	swait.ge [sflag:s11], $0x80  }
0x21: {  	s15 =	simm.s32 $0x20;
	s14 =	simm.s32 $0x10;
	[sflag:s11] =	ssyncset.done $0x0  }
.LBB2_2:
0x22: {  	s16 =	sadd.s32 s14, s9  }
0x23: {  	[sflag:s11] =	ssyncadd.s32 $0xFFFFFF80;
	s14 =	smov.u32 s15;
	s17 =	sadd.s32 $0x10, s15  }
0x24: {  	[tilespmem:s4], [sflag:$0x1] =	stream.linear.gather [hbm4b:s16+s4], $0x80, $0x38;
	[tilespmem:$0x1980] =	vst v63  }
0x25: {  	p0 =	sne.s32 s15, $0xC30;
	_ =	swait.ge [sflag:s11], $0x80  }
.Ltmp0:
0x26: {  	[sflag:s11] =	ssyncset.done $0x0;
	(pc) =	sbr.rel @p0 .LBB2_2-.Ltmp0, $4  }
0x27: {  	[sflag:s11] =	ssyncadd.s32 $0xFFFFFF80  }
0x28: {  	[spmem:s3] =	stream.indirect.scatter.add.f32 [tilespmem:s12], [sflag:$0x1], $0x1, s4, s12, $0xb8;
	[tilespmem:$0x1980] =	vst v63  }
0x29: {  	_ =	swait.ge [sflag:s11], $0x80  }
0x2a: {  	s15 =	smov.u32 s17;
	[sflag:s11] =	ssyncset.done $0x0  }
0x2b: {  	s14 =	sadd.s32 s14, s9;
	[sflag:s11] =	ssyncadd.s32 $0xFFFFFF80  }
0x2c: {  	[tilespmem:s4], [sflag:$0x1] =	stream.linear.gather [hbm4b:s14+s4], $0x80, $0x38;
	[tilespmem:$0x1980] =	vst v63  }
0x2d: {  	_ =	swait.ge [sflag:s11], $0x80  }
0x2e: {  	[sflag:s11] =	ssyncset.done $0x0  }
0x2f: {  	[sflag:s11] =	ssyncadd.s32 $0xFFFFFF80  }
0x30: {  	[spmem:s3] =	stream.indirect.scatter.add.f32 [tilespmem:s12], [sflag:$0x1], $0x1, s4, s12, $0xb8;
	[tilespmem:$0x1980] =	vst v63  }
0x31: {  	_ =	swait.ge [sflag:s11], $0x80  }
0x32: {  	[sflag:s11] =	ssyncset.done $0x0  }
0x33: {  	[sflag:s11] =	ssyncadd.s32 $0xFFFFFF80  }
0x34: {  	[bflag:$0x0] =	sbarrier.arrive $0xFFFF  }
0x35: {  	[tilespmem:s10], [sflag:$0x1] =	stream.linear.gather [spmem:s6], $0xC40, $0x38;
	[tilespmem:$0x1980] =	vst v63  }
0x36: {  	s13 =	sadd.s32 $0x1, s13;
	_ =	swait.ge [sflag:s11], $0xC40  }
0x37: {  	p0 =	sne.s32 s13, s8;
	[sflag:s11] =	ssyncset.done $0x0  }
.Ltmp1:
0x38: {  	[sflag:s11] =	ssyncadd.s32 $0xFFFFF3C0;
	(pc) =	sbr.rel @p0 .LBB2_1-.Ltmp1, $4  }
0x39: {  	[hbm4b:s7+s4] =	stream.linear.scatter [tilespmem:s10], [sflag:$0x1], $0xC40, $0x38;
	[tilespmem:$0x1980] =	vst v63  }
0x3a: {  	_ =	swait.ge [sflag:s11], $0xC40  }
0x3b: {  	[sflag:s11] =	ssyncset.done $0x0  }
0x3c: {  	[sflag:s11] =	ssyncadd.s32 $0xFFFFF3C0  }
0x3d: {  	_ =	sfence.sel $0x180000  }
0x3e: {  	[bflag:$0x0] =	sbarrier.arrive $0xFFFF  }
0x3f: {  	p0 =	sne.s32 s1, $0x0;
	_ =	strace $0x90000047  }
0x40: {  	s0 =	sadd.s32 @!p0 $0x100000, s0;
	[bflag:$0x2] =	sbarrier.arrive $0xFFFF  }
0x41: {  	[sflag:s0] =	ssyncadd.tile.s32 @!p0 $0x1;
	_ =	shalt  }
.Lfunc_end2:
_tile_overlayer_lowered:
.L_overlay_start_2:
0x42: {  	(tag) =	ssettag $0x2  }
0x43: {  	s0 =	rddreg [dreg:$0x0];
	s2 =	stileid.u32  }
0x44: {  	s1 =	rddreg [dreg:$0x1];
	p0 =	sne.s32 s2, $0x0  }
0x45: {  	s3 =	rddreg [dreg:$0x2];
	[bflag:$0x3] =	sbarrier.arrive $0xFFFF;
	s2 =	simm.s32 @!p0 $0x1C01  }
0x46: {  	[timem:s3], [sflag:s2] =	dma.local @!p0 [hbm:s0], s1  }
0x47: {  	s0 =	simm.s32 @!p0 $0x1  }
0x48: {  	_ =	swait.ge @!p0 [sflag:s0], s1  }
0x49: {  	s1 =	ssub.s32 @!p0 $0x0, s1;
	[sflag:s0] =	ssyncset.done @!p0 $0x0  }
0x4a: {  	[sflag:s0] =	ssyncadd.s32 @!p0 s1  }
0x4b: {  	[bflag:$0x3] =	sbarrier.arrive $0xFFFF  }
0x4c: {  	_ =	shalt  }

// kernel: kernel.9.cloned.1.call-start
scs
__scs_entry_jumppad:
0x0: {  	(pc) =	sbr.rel $0x88, $3  }
0x1: {  	(tag) =	ssettag $0x0;
	lr =	simm.s32 $0x1  }
0x2: {  	[smem:$0x3F98] =	sst lr;
	_ =	strace $0xD0000000  }
0x3: {  	_ = 	snop  }
0x4: {  	_ = 	snop  }
0x5: {  	_ = 	snop  }
0x6: {  	_ = 	snop  }
0x7: {  	_ = 	snop  }
__scs_overlays_trampoline_lowered:
0x8: {  	[smem:$0x3FA7] =	sst s0  }
0x9: {  	[smem:$0x3FA8] =	sst s1  }
0xa: {  	[smem:$0x3FA9] =	sst s2  }
0xb: {  	[smem:$0x3FAA] =	sst s3  }
0xc: {  	[smem:$0x3FAB] =	sst s4  }
0xd: {  	[smem:$0x3FAC] =	sst s5  }
0xe: {  	[smem:$0x3FAD] =	sst s6  }
0xf: {  	[smem:$0x3FAE] =	sst s7  }
0x10: {  	[smem:$0x3FAF] =	sst s8  }
0x11: {  	[smem:$0x3FB0] =	sst s9;
	s0 =	simm.s32 @!p0 $0x0  }
0x12: {  	s1 =	sld [smem:$0x3F96];
	s0 =	simm.s32 @p0 $0x1  }
0x13: {  	[smem:$0x3FB1] =	sst s0;
	s0 =	simm.s32 @!p1 $0x0  }
0x14: {  	s2 =	sld [smem:$0x3F95];
	s0 =	simm.s32 @p1 $0x1  }
0x15: {  	[smem:$0x3FB2] =	sst s0;
	s0 =	simm.s32 @!p2 $0x0  }
0x16: {  	s3 =	sld [smem:$0x3FDB];
	s0 =	simm.s32 @p2 $0x1  }
0x17: {  	s4 =	simm.s32 $0x1BF5;
	[smem:$0x3FB4] =	sst s0  }
0x18: {  	s0 =	sld [smem:$0x3F97];
	_ =	swait.ge [sflag:s4], $0x0  }
0x19: {  	s7 =	sld [smem:$0x3F98]  }
0x1a: {  	s8 =	sadd.s32 $0xFFFFE003, lr  }
0x1b: {  	s9 =	sadd.s32 $0xFFFFFEF7, lr;
	s5 =	simm.s32 $0xFFFFFFFF;
	p2 =	slt.u32 s8, $0xFFFFF086  }
0x1c: {  	p1 =	slt.u32 s9, $0xF7A;
	s5 =	simm.s32 @!p2 $0x0  }
0x1d: {  	s5 =	simm.s32 @p1 $0x1;
	p0 =	seq.s32 s7, s2  }
0x1e: {  	s7 =	smul.u32 @!p0 $0xF7A, s2;
	p2 =	seq.s32 @!p0 s5, $0x0  }
0x1f: {  	s9 =	smul.u32 $0xF7A, s1;
	s8 =	simm.s32 @!p0 $0x1BF5;
	p2 =	por !p2, p0  }
0x20: {  	[sflag:s8] =	ssyncset.s32 @!p0 $0xFFFFF086;
	s6 =	sadd.s32 @!p0 s3, s7;
	s7 =	simm.s32 @!p0 $0x108  }
0x21: {  	s3 =	sadd.s32 s3, s9;
	s6 =	sadd.s32 @!p0 $0x88, s6;
	s7 =	simm.s32 @p2 $0x1082  }
0x22: {  	[simem:s7], [sflag:s8] =	dma.local @!p0 [hbm:s6], $0xF7A  }
0x23: {  	s9 =	sor.u32 $0xD0000000, s2;
	s6 =	simm.s32 $0x108;
	_ =	swait.ge @!p0 [sflag:s8], $0x0  }
0x24: {  	s3 =	sadd.s32 $0x88, s3;
	s6 =	simm.s32 @!p1 $0x1082;
	[sflag:s4] =	ssyncset.s32 $0xFFFFF086  }
0x25: {  	[simem:s6], [sflag:s4] =	dma.local [hbm:s3], $0xF7A  }
0x26: {  	[smem:$0x3F98] =	sst s1;
	(tag) =	ssettag s2;
	_ =	strace s9  }
0x27: {  	s1 =	sld [smem:$0x3FA8]  }
0x28: {  	s2 =	sld [smem:$0x3FA9]  }
0x29: {  	s4 =	sld [smem:$0x3FAB]  }
0x2a: {  	p0 =	seq.s32 s5, $0x0;
	s5 =	sld [smem:$0x3FAC]  }
0x2b: {  	s6 =	sld [smem:$0x3FAD]  }
0x2c: {  	s7 =	sld [smem:$0x3FAE]  }
0x2d: {  	s3 =	simm.s32 $0x108;
	s8 =	sld [smem:$0x3FAF]  }
0x2e: {  	s3 =	simm.s32 @!p0 $0x1082;
	s9 =	sld [smem:$0x3FB0]  }
0x2f: {  	lr =	sadd.s32 s0, s3;
	s0 =	sld [smem:$0x3FA7]  }
0x30: {  	s3 =	sld [smem:$0x3FAA]  }
0x31: {  	[smem:$0x3FB3] =	sst s10  }
0x32: {  	s10 =	sld [smem:$0x3FB1];
	_ =	sdelay $0x3  }
0x33: {  	p0 =	seq.s32 s10, $0x1;
	s10 =	sld [smem:$0x3FB3];
	_ =	sdelay $0x3  }
0x34: {  	[smem:$0x3FB3] =	sst s10  }
0x35: {  	s10 =	sld [smem:$0x3FB2];
	_ =	sdelay $0x3  }
0x36: {  	p1 =	seq.s32 s10, $0x1;
	s10 =	sld [smem:$0x3FB3];
	_ =	sdelay $0x3  }
0x37: {  	[smem:$0x3FB3] =	sst s10  }
0x38: {  	s10 =	sld [smem:$0x3FB4]  }
0x39: {  	_ = 	snop;
	(pc) =	sbr.ind lr, $3  }
0x3a: {  	_ = 	snop  }
0x3b: {  	_ = 	snop  }
0x3c: {  	p2 =	seq.s32 s10, $0x1;
	s10 =	sld [smem:$0x3FB3]  }
0x3d: {  	_ =	shalt  }
0x3e: {  	_ =	shalt  }
0x3f: {  	_ =	shalt  }
0x40: {  	_ =	shalt  }
0x41: {  	_ =	shalt  }
0x42: {  	_ =	shalt  }
0x43: {  	_ =	shalt  }
0x44: {  	_ =	shalt  }
0x45: {  	_ =	shalt  }
0x46: {  	_ =	shalt  }
0x47: {  	_ =	shalt  }
0x48: {  	_ =	shalt  }
0x49: {  	_ =	shalt  }
0x4a: {  	_ =	shalt  }
0x4b: {  	_ =	shalt  }
0x4c: {  	_ =	shalt  }
0x4d: {  	_ =	shalt  }
0x4e: {  	_ =	shalt  }
0x4f: {  	_ =	shalt  }
0x50: {  	_ =	shalt  }
0x51: {  	_ =	shalt  }
0x52: {  	_ =	shalt  }
0x53: {  	_ =	shalt  }
0x54: {  	_ =	shalt  }
0x55: {  	_ =	shalt  }
0x56: {  	_ =	shalt  }
0x57: {  	_ =	shalt  }
0x58: {  	_ =	shalt  }
0x59: {  	_ =	shalt  }
0x5a: {  	_ =	shalt  }
0x5b: {  	_ =	shalt  }
0x5c: {  	_ =	shalt  }
0x5d: {  	_ =	shalt  }
0x5e: {  	_ =	shalt  }
0x5f: {  	_ =	shalt  }
0x60: {  	_ =	shalt  }
0x61: {  	_ =	shalt  }
0x62: {  	_ =	shalt  }
0x63: {  	_ =	shalt  }
0x64: {  	_ =	shalt  }
0x65: {  	_ =	shalt  }
0x66: {  	_ =	shalt  }
0x67: {  	_ =	shalt  }
0x68: {  	_ =	shalt  }
0x69: {  	_ =	shalt  }
0x6a: {  	_ =	shalt  }
0x6b: {  	_ =	shalt  }
0x6c: {  	_ =	shalt  }
0x6d: {  	_ =	shalt  }
0x6e: {  	_ =	shalt  }
0x6f: {  	_ =	shalt  }
0x70: {  	_ =	shalt  }
0x71: {  	_ =	shalt  }
0x72: {  	_ =	shalt  }
0x73: {  	_ =	shalt  }
0x74: {  	_ =	shalt  }
0x75: {  	_ =	shalt  }
0x76: {  	_ =	shalt  }
0x77: {  	_ =	shalt  }
0x78: {  	_ =	shalt  }
0x79: {  	_ =	shalt  }
0x7a: {  	_ =	shalt  }
0x7b: {  	_ =	shalt  }
0x7c: {  	_ =	shalt  }
0x7d: {  	_ =	shalt  }
0x7e: {  	_ =	shalt  }
0x7f: {  	_ =	shalt  }
0x80: {  	_ =	shalt  }
0x81: {  	_ =	shalt  }
0x82: {  	_ =	shalt  }
0x83: {  	_ =	shalt  }
0x84: {  	_ =	shalt  }
0x85: {  	_ =	shalt  }
0x86: {  	_ =	shalt  }
0x87: {  	_ =	shalt  }
.Lfunc_end0:
.L_simem_size_0:
called_computation.1_lowered:
.L_overlay_start_0:
0x88: {  	s2 =	sld [smem:$0x3FD9]  }
0x89: {  	s3 =	sld [smem:$0x3FFE];
	_ =	sdelay $0x1  }
0x8a: {  	s1 =	srdreg.scid  }
0x8b: {  	s0 =	sand.u32 $0x1, s1  }
0x8c: {  	s17 =	sshll.u32 s0, $0xA;
	s2 =	sadd.s32 s3, s2  }
0x8d: {  	s2 =	sadd.s32 s2, s17  }
0x8e: {  	[smem:$0x3FBF] =	sst s2  }
0x8f: {  	_ = 	snop  }
0x90: {  	(tm) =	ssettm $0x1  }
0x91: {  	s18 =	sld [smem:$0x3FFB];
	_ =	sdelay $0x3  }
0x92: {  	_ =	strace s18  }
0x93: {  	s2 =	sld [smem:$0x3FFC];
	_ =	sdelay $0x3  }
0x94: {  	_ =	strace s2  }
0x95: {  	s2 =	sld [smem:$0x3FFD];
	_ =	sdelay $0x3  }
0x96: {  	_ =	strace s2  }
0x97: {  	_ =	strace $0x8FFFFFFF  }
0x98: {  	s19 =	sld [smem:$0x3FDB];
	_ =	sdelay $0x1  }
0x99: {  	s20 =	simm.s32 $_scs_section_size  }
0x9a: {  	s4 =	simm.s32 $_size__tile_overlayer_lowered;
	s5 =	simm.s32 $_tile_overlayer_lowered  }
0x9b: {  	s6 =	simm.s32 $0x1BFF;
	s21 =	sshll.u32 s5, $0x1;
	s3 =	sadd.s32 s20, s19  }
0x9c: {  	s22 =	simm.s32 $0x0;
	s4 =	sshll.u32 s4, $0x1;
	s5 =	sadd.s32 s21, s3  }
0x9d: {  	[timem:s22], [sflag:s6] =	dma.local [hbm:s5], s4  }
0x9e: {  	_ =	swait.ge [sflag:s6], s4  }
0x9f: {  	s4 =	ssub.s32 $0x0, s4;
	[sflag:s6] =	ssyncset.done $0x0  }
0xa0: {  	[sflag:s6] =	ssyncadd.s32 s4;
	_ =	sdelay $0x1  }
0xa1: {  	s23 =	simm.s32 $0x1B8B  }
0xa2: {  	_ =	swait.ge [sflag:s23], $0x1  }
0xa3: {  	[sflag:s23] =	ssyncset.done $0x0  }
0xa4: {  	[sflag:s23] =	ssyncadd.s32 $0xFFFFFFFF  }
0xa5: {  	s4 =	sld [smem:$0x0]  }
0xa6: {  	s5 =	sand.u32 $0xFFFFFFFE, s1  }
0xa7: {  	p0 =	sne.s32 s1, s5  }
0xa8: {  	s5 =	sshll.u32 @p0 s5, $0xE  }
0xa9: {  	s5 =	sadd.s32 @p0 $0x11B8D, s5;
	s6 =	sshll.u32 @p0 s4, $0x11  }
0xaa: {  	s5 =	sor.u32 @p0 s6, s5  }
0xab: {  	[sflag:s5] =	ssyncadd.remote.s32 @p0 $0x1;
	_ =	sdelay $0x1  }
0xac: {  	s5 =	simm.s32 @p0 $0x1B8D  }
0xad: {  	_ =	swait.eq @p0 [sflag:s5], $0x1  }
0xae: {  	[sflag:s5] =	ssyncadd.s32 @p0 $0xFFFFFFFF  }
0xaf: {  	s6 =	sshll.u32 @!p0 s1, $0xE  }
0xb0: {  	s6 =	sor.u32 @!p0 $0x4000, s6;
	s5 =	simm.s32 @!p0 $0x1B8D  }
0xb1: {  	s4 =	sshll.u32 @!p0 s4, $0x11;
	s6 =	sadd.s32 @!p0 $0x11B8D, s6;
	_ =	swait.eq @!p0 [sflag:s5], $0x1  }
0xb2: {  	s4 =	sor.u32 @!p0 s4, s6;
	[sflag:s5] =	ssyncadd.s32 @!p0 $0xFFFFFFFF  }
0xb3: {  	s25 =	simm.s32 $0x1B8E;
	s24 =	sld [smem:$0x3FFE];
	[sflag:s4] =	ssyncadd.remote.s32 @!p0 $0x1  }
0xb4: {  	s26 =	simm.s32 $execute0_lowered;
	[smem:$0x3FD2] =	sst s25  }
0xb5: {  	s5 =	sshll.u32 s26, $0x1;
	_ =	strace $0x80000049;
	[dreg:$0x1] =	wrdreg $0xFFFFFFFF  }
0xb6: {  	s28 =	simm.s32 $_size_execute0_lowered;
	s3 =	sadd.s32 s3, s5;
	[dreg:$0x0] =	wrdreg $0x0  }
0xb7: {  	s5 =	sshll.u32 s28, $0x1;
	[dreg:$0x2] =	wrdreg s3  }
0xb8: {  	[dreg:$0x3] =	wrdreg s5  }
0xb9: {  	[dreg:$0x4] =	wrdreg $0xC0  }
0xba: {  	_ =	task [dreg:s22], $0x5FFFF  }
0xbb: {  	[dreg:$0x1] =	wrdreg $0xFFFFFFFF  }
0xbc: {  	[dreg:$0x0] =	wrdreg $0x60  }
0xbd: {  	[dreg:$0x2] =	wrdreg s24  }
0xbe: {  	[dreg:$0x3] =	wrdreg $0xA  }
0xbf: {  	_ =	task.clear_ibuf [dreg:s22], $0x4FFFF;
	_ =	strace $0x90000049  }
0xc0: {  	s29 =	simm.s32 $0xA;
	_ =	strace $0x8000004B  }
0xc1: {  	_ =	swait.ge [sflag:s29], $0x1  }
0xc2: {  	[sflag:s29] =	ssyncadd.s32 $0xFFFFFFFF  }
0xc3: {  	_ =	strace $0x9000004B  }
0xc4: {  	_ =	sfence  }
0xc5: {  	s30 =	sld [smem:$0x0];
	_ =	sdelay $0x2  }
0xc6: {  	s31 =	sshll.u32 s1, $0xD;
	s1 =	sshrl.u32 s1, $0x2  }
0xc7: {  	s4 =	sand.u32 $0x4000, s31;
	s1 =	sadd.s32 s1, s30  }
0xc8: {  	s0 =	sor.u32 s4, s0;
	s1 =	sshll.u32 s1, $0x11  }
0xc9: {  	s0 =	sor.u32 s1, s0  }
0xca: {  	s0 =	sadd.s32 $0x8F2B, s0  }
0xcb: {  	[sflag:s0] =	ssyncadd.remote.s32 $0x1  }
0xcc: {  	_ =	sfence.sel $0xFFFF  }
0xcd: {  	[dreg:$0x0] =	wrdreg $0xFFFFFFFF;
	(pc) =	sbr.abs _section_cstart, $3  }
0xce: {  	[dreg:$0x1] =	wrdreg $0xFFFFFFFF  }
0xcf: {  	_ =	task.clear_ibuf [dreg:s22], $0x2FFFF;
	_ =	strace $0x9FFFFFFF  }
0xd0: {  	(tm) =	ssettm $0x7FFFFFFF  }
0xd1: {  	_ =	shalt  }
tec
execute0_lowered:
.L_overlay_start_1:
0x0: {  	(tag) =	ssettag $0x1  }
0x1: {  	s3 =	rddreg [dreg:$0x0];
	s1 =	stileid.u32  }
0x2: {  	s4 =	srdreg.scid;
	s5 =	smul.u32 $0xC40, s1  }
0x3: {  	s0 =	rddreg [dreg:$0x1];
	s4 =	sand.u32 $0x1, s4;
	s7 =	smul.u32 $0x6200, s1  }
0x4: {  	s2 =	simm.s32 $0x0;
	s10 =	simm.s32 $0x0;
	s6 =	smul.u32 $0x620, s4  }
0x5: {  	[smem:$0x7FF] =	sst s2;
	s29 =	ssub.s32 $0x2, s4;
	s9 =	smul.u32 $0x3100, s4  }
0x6: {  	_ =	strace $0x8000004A;
	s8 =	sshrl.u32 s29, $0x1;
	s7 =	sadd.s32 s7, s3  }
0x7: {  	s5 =	sadd.s32 s6, s5;
	s30 =	ssub.s32 s29, s8;
	s31 =	sadd.s32 s9, s7  }
0x8: {  	s7 =	simm.s32 $0x1;
	s8 =	simm.s32 $0x1C00;
	s5 =	sshrl.u32 s5, $0x3  }
0x9: {  	s9 =	simm.s32 $0x70;
	s4 =	smax.u32 s30, $0x1;
	s5 =	sadd.s32 s5, s3  }
0xa: {  	s6 =	sadd.s32 $0x3A00, s31;
	s3 =	sadd.s32 $0x67400, s3;
	s5 =	sadd.s32 $0x65A00, s5  }
.LBB2_1:
0xb: {  	[tilespmem:s2], [sflag:$0x1] =	stream.linear.gather [hbm4b:s6+s2], $0x1C00, $0x38;
	[tilespmem:$0x1C70] =	vst v63  }
0xc: {  	_ =	swait.ge [sflag:s7], $0x1C00  }
0xd: {  	[sflag:s7] =	ssyncset.done $0x0  }
0xe: {  	s11 =	sadd.s32 $0x0, s5;
	[sflag:s7] =	ssyncadd.s32 $0xFFFFE400  }
0xf: {  	[tilespmem:s8], [sflag:$0x1] =	stream.linear.gather [hbm4b:s11+s2], $0x70, $0x38;
	[tilespmem:$0x1C70] =	vst v63  }
0x10: {  	_ =	swait.ge [sflag:s7], $0x70  }
0x11: {  	[sflag:s7] =	ssyncset.done $0x0  }
0x12: {  	[sflag:s7] =	ssyncadd.s32 $0xFFFFFF90  }
0x13: {  	[hbm4b:s3+s9] =	stream.indirect.scatter [tilespmem:s2], [sflag:$0x1], $0x40, s8, s9, $0xb8;
	[tilespmem:$0x1C70] =	vst v63  }
0x14: {  	_ =	swait.ge [sflag:s7], $0x1C00  }
0x15: {  	s12 =	smov.u32 s6;
	s11 =	simm.s32 $0xE;
	[sflag:s7] =	ssyncset.done $0x0  }
.LBB2_2:
0x16: {  	p0 =	sne.s32 s11, $0xB6;
	[sflag:s7] =	ssyncadd.s32 $0xFFFFE400;
	s12 =	sadd.s32 $0x380, s12  }
0x17: {  	[tilespmem:s2], [sflag:$0x1] =	stream.linear.gather [hbm4b:s12+s2], $0x1C00, $0x38;
	[tilespmem:$0x1C70] =	vst v63  }
0x18: {  	s13 =	smov.u32 s11;
	s11 =	sadd.s32 $0xE, s11;
	_ =	swait.ge [sflag:s7], $0x1C00  }
0x19: {  	[sflag:s7] =	ssyncset.done $0x0  }
0x1a: {  	s13 =	sadd.s32 s13, s5;
	[sflag:s7] =	ssyncadd.s32 $0xFFFFE400  }
0x1b: {  	[tilespmem:s8], [sflag:$0x1] =	stream.linear.gather [hbm4b:s13+s2], $0x70, $0x38;
	[tilespmem:$0x1C70] =	vst v63  }
0x1c: {  	_ =	swait.ge [sflag:s7], $0x70  }
.Ltmp0:
0x1d: {  	[sflag:s7] =	ssyncset.done $0x0;
	(pc) =	sbr.rel @p0 .LBB2_2-.Ltmp0, $4  }
0x1e: {  	[sflag:s7] =	ssyncadd.s32 $0xFFFFFF90  }
0x1f: {  	[hbm4b:s3+s9] =	stream.indirect.scatter [tilespmem:s2], [sflag:$0x1], $0x40, s8, s9, $0xb8;
	[tilespmem:$0x1C70] =	vst v63  }
0x20: {  	_ =	swait.ge [sflag:s7], $0x1C00  }
0x21: {  	[sflag:s7] =	ssyncset.done $0x0  }
0x22: {  	s10 =	sadd.s32 $0x1, s10  }
0x23: {  	p0 =	sne.s32 s10, s4  }
.Ltmp1:
0x24: {  	_ = 	snop;
	(pc) =	sbr.rel @p0 .LBB2_1-.Ltmp1, $2  }
0x25: {  	_ =	sdelay $0x2  }
0x26: {  	[sflag:s7] =	ssyncadd.s32 $0xFFFFE400  }
0x27: {  	_ =	sfence.sel $0x180000  }
0x28: {  	[bflag:$0x0] =	sbarrier.arrive $0xFFFF  }
0x29: {  	p0 =	sne.s32 s1, $0x0;
	_ =	strace $0x9000004A  }
0x2a: {  	s0 =	sadd.s32 @!p0 $0x100000, s0;
	[bflag:$0x2] =	sbarrier.arrive $0xFFFF  }
0x2b: {  	[sflag:s0] =	ssyncadd.tile.s32 @!p0 $0x1;
	_ =	shalt  }
.Lfunc_end2:
_tile_overlayer_lowered:
.L_overlay_start_2:
0x2c: {  	(tag) =	ssettag $0x2  }
0x2d: {  	s0 =	rddreg [dreg:$0x0];
	s2 =	stileid.u32  }
0x2e: {  	s1 =	rddreg [dreg:$0x1];
	p0 =	sne.s32 s2, $0x0  }
0x2f: {  	s3 =	rddreg [dreg:$0x2];
	[bflag:$0x3] =	sbarrier.arrive $0xFFFF;
	s2 =	simm.s32 @!p0 $0x1C01  }
0x30: {  	[timem:s3], [sflag:s2] =	dma.local @!p0 [hbm:s0], s1  }
0x31: {  	s0 =	simm.s32 @!p0 $0x1  }
0x32: {  	_ =	swait.ge @!p0 [sflag:s0], s1  }
0x33: {  	s1 =	ssub.s32 @!p0 $0x0, s1;
	[sflag:s0] =	ssyncset.done @!p0 $0x0  }
0x34: {  	[sflag:s0] =	ssyncadd.s32 @!p0 s1  }
0x35: {  	[bflag:$0x3] =	sbarrier.arrive $0xFFFF  }
0x36: {  	_ =	shalt  }

</sc_bundles>
